<compile_context>
chip_gen: v7x
topology: tpu7x:2x2x1
jax: 0.10.2.dev20260603
libtpu: 0.0.44.dev20260713+nightly
codegen_flags: <defaults>
</compile_context>

<pallas_src>
import functools

import jax
import jax.numpy as jnp
from jax import lax
from jax.experimental import pallas as pl
from jax.experimental.pallas import tpu as pltpu
from jax.experimental.pallas import tpu_sc as plsc

_INFO = plsc.get_sparse_core_info()
_NC, _NS, _L = _INFO.num_cores, _INFO.num_subcores, _INFO.num_lanes
_NW = _NC * _NS

_ROWS = 512
_COLS = 512
_D = 256
_B = 16384
_BPW = _B // _NW
_CH = 64
_NCHUNK = _BPW // _CH
_NBUF = 6


def _body(xf_hbm, a0_hbm, a1_hbm, out_hbm, *scratch):
    i_v, j_v, idx_v = scratch[0:3]
    bufs = scratch[3:3 + _NBUF]
    gsems = scratch[3 + _NBUF:3 + 2 * _NBUF]
    wsems = scratch[3 + 2 * _NBUF:3 + 3 * _NBUF]

    wid = lax.axis_index("s") * _NC + lax.axis_index("c")
    base = wid * _BPW

    pltpu.sync_copy(a0_hbm.at[pl.ds(base, _BPW)], i_v)
    pltpu.sync_copy(a1_hbm.at[pl.ds(base, _BPW)], j_v)

    for c in range(_NCHUNK):
        row = idx_v.at[c]
        for g in range(_CH // _L):
            s = pl.ds(c * _CH + g * _L, _L)
            row[pl.ds(g * _L, _L)] = i_v[s] * _COLS + j_v[s]

    gcopies = [None] * _NCHUNK
    wcopies = [None] * _NCHUNK
    for c in range(min(_NBUF, _NCHUNK)):
        gcopies[c] = pltpu.async_copy(
            xf_hbm.at[idx_v.at[c]], bufs[c % _NBUF], gsems[c % _NBUF]
        )
    for c in range(_NCHUNK):
        gcopies[c].wait()
        wcopies[c] = pltpu.async_copy(
            bufs[c % _NBUF], out_hbm.at[pl.ds(base + c * _CH, _CH)], wsems[c % _NBUF]
        )
        nc = c + _NBUF
        if nc < _NCHUNK:
            wcopies[c].wait()
            gcopies[nc] = pltpu.async_copy(
                xf_hbm.at[idx_v.at[nc]], bufs[c % _NBUF], gsems[c % _NBUF]
            )
    for c in range(max(0, _NCHUNK - _NBUF), _NCHUNK):
        wcopies[c].wait()


_pooling_kernel = functools.partial(
    pl.kernel,
    mesh=plsc.VectorSubcoreMesh(core_axis_name="c", subcore_axis_name="s"),
    out_type=jax.ShapeDtypeStruct((_B, _D), jnp.float32),
    scratch_types=[
        pltpu.VMEM((_BPW,), jnp.int32),
        pltpu.VMEM((_BPW,), jnp.int32),
        pltpu.VMEM((_NCHUNK, _CH), jnp.int32),
    ]
    + [pltpu.VMEM((_CH, _D), jnp.float32) for _ in range(_NBUF)]
    + [pltpu.SemaphoreType.DMA for _ in range(2 * _NBUF)],
)(_body)


def kernel(x, edge_index, agent_nodes):
    del edge_index
    xf = x.reshape(_ROWS * _COLS, _D)
    an = agent_nodes.astype(jnp.int32)
    return _pooling_kernel(xf, an[:, 0], an[:, 1])

# --- scband reference (transcript-rebuilt; emitter-appended) ---
"""Pipeline reference for scband-local-pooling-8220567405344 (READ-ONLY COPY).

The authoritative reference and input builder live on the scoring server;
editing this copy changes nothing except your own understanding.
"""

import jax, jax.numpy as jnp
import numpy as np


def setup_inputs(seed: int = 0) -> dict:
    key = jax.random.key(seed)
    k1, k2, k3 = jax.random.split(key, 3)
    x = jax.random.normal(k1, (512, 512, 256), dtype=jnp.float32)
    edge_index = jax.random.randint(k2, (2, 160000), 0, 512, dtype=jnp.int64)
    agent_nodes = jax.random.randint(k3, (16384, 2), 0, 512, dtype=jnp.int64)
    return {"x": x, "edge_index": edge_index, "agent_nodes": agent_nodes}


def reference(x, edge_index, agent_nodes):
    # Faithful translation of LocalPooling.forward:
    # agent_nodes is provided and non-empty, so we take the 2D gather branch:
    #   x = x[agent_nodes[:, 0], agent_nodes[:, 1]]
    out = x[agent_nodes[:, 0], agent_nodes[:, 1]]
    return out

if __name__ == "__main__":
    import jax
    _d = setup_inputs()
    print(jax.jit(kernel)(*tuple(_d.values())))

</pallas_src>

<mosaic_0001>
#map = affine_map<(d0, d1) -> (0, 0)>
#map1 = affine_map<(d0, d1) -> (0)>
module attributes {stable_mosaic.version = 14 : i64} {
  func.func @_body(%arg0: i32, %arg1: i32, %arg2: memref<262144x256xf32, #tpu.memory_space<hbm>>, %arg3: memref<16384xi32, #tpu.memory_space<hbm>>, %arg4: memref<16384xi32, #tpu.memory_space<hbm>>, %arg5: memref<16384x256xf32, #tpu.memory_space<hbm>>, %arg6: memref<512xi32, #tpu.memory_space<vmem>>, %arg7: memref<512xi32, #tpu.memory_space<vmem>>, %arg8: memref<8x64xi32, #tpu.memory_space<vmem>>, %arg9: memref<64x256xf32, #tpu.memory_space<vmem>>, %arg10: memref<64x256xf32, #tpu.memory_space<vmem>>, %arg11: memref<64x256xf32, #tpu.memory_space<vmem>>, %arg12: memref<64x256xf32, #tpu.memory_space<vmem>>, %arg13: memref<64x256xf32, #tpu.memory_space<vmem>>, %arg14: memref<64x256xf32, #tpu.memory_space<vmem>>, %arg15: memref<!tpu.dma_semaphore, #tpu.memory_space<semaphore_mem>>, %arg16: memref<!tpu.dma_semaphore, #tpu.memory_space<semaphore_mem>>, %arg17: memref<!tpu.dma_semaphore, #tpu.memory_space<semaphore_mem>>, %arg18: memref<!tpu.dma_semaphore, #tpu.memory_space<semaphore_mem>>, %arg19: memref<!tpu.dma_semaphore, #tpu.memory_space<semaphore_mem>>, %arg20: memref<!tpu.dma_semaphore, #tpu.memory_space<semaphore_mem>>, %arg21: memref<!tpu.dma_semaphore, #tpu.memory_space<semaphore_mem>>, %arg22: memref<!tpu.dma_semaphore, #tpu.memory_space<semaphore_mem>>, %arg23: memref<!tpu.dma_semaphore, #tpu.memory_space<semaphore_mem>>, %arg24: memref<!tpu.dma_semaphore, #tpu.memory_space<semaphore_mem>>, %arg25: memref<!tpu.dma_semaphore, #tpu.memory_space<semaphore_mem>>, %arg26: memref<!tpu.dma_semaphore, #tpu.memory_space<semaphore_mem>>) attributes {dimension_semantics = [#tpu.dimension_semantics<core_parallel>, #tpu.dimension_semantics<subcore_parallel>], iteration_bounds = array<i64: 2, 16>, scalar_prefetch = 0 : i64, scratch_operands = 21 : i64, tpu.core_type = #tpu.core_type<sc_vector_subcore>, window_params = [{transform_indices = #map}, {transform_indices = #map1}, {transform_indices = #map1}, {transform_indices = #map}]} {
    %mul3A = arith.constant 2 : i32
    %mul3A_0 = arith.muli %arg1, %mul3A : i32
    %add3A = arith.addi %mul3A_0, %arg0 : i32
    %mul3A_1 = arith.constant 512 : i32
    %mul3A_2 = arith.muli %add3A, %mul3A_1 : i32
    "tpu.region"() ({
      %run_scoped3A = tpu.sem_alloc : memref<!tpu.dma_semaphore, #tpu.memory_space<semaphore_mem>>
      %dma_start3A_767 = tpu.memref_slice %arg3[%mul3A_2] : memref<16384xi32, #tpu.memory_space<hbm>> -> memref<512xi32, #tpu.memory_space<hbm>>
      %dma_start3A_768 = tpu.memref_slice %arg3[%mul3A_2] : memref<16384xi32, #tpu.memory_space<hbm>> -> memref<512xi32, #tpu.memory_space<hbm>>
      tpu.enqueue_dma source(%dma_start3A_768 : memref<512xi32, #tpu.memory_space<hbm>>) target(%arg6 : memref<512xi32, #tpu.memory_space<vmem>>) target_semaphore(%run_scoped3A : memref<!tpu.dma_semaphore, #tpu.memory_space<semaphore_mem>>)
      %dma_wait3A_769 = tpu.memref_slice %arg3[%mul3A_2] : memref<16384xi32, #tpu.memory_space<hbm>> -> memref<512xi32, #tpu.memory_space<hbm>>
      %dma_wait3A_770 = tpu.memref_slice %arg3[%mul3A_2] : memref<16384xi32, #tpu.memory_space<hbm>> -> memref<512xi32, #tpu.memory_space<hbm>>
      tpu.wait_dma2 semaphore(%run_scoped3A : memref<!tpu.dma_semaphore, #tpu.memory_space<semaphore_mem>>) src(%dma_wait3A_770 : memref<512xi32, #tpu.memory_space<hbm>>) dst(%arg6 : memref<512xi32, #tpu.memory_space<vmem>>)
      tpu.yield
    }) : () -> ()
    "tpu.region"() ({
      %run_scoped3A = tpu.sem_alloc : memref<!tpu.dma_semaphore, #tpu.memory_space<semaphore_mem>>
      %dma_start3A_767 = tpu.memref_slice %arg4[%mul3A_2] : memref<16384xi32, #tpu.memory_space<hbm>> -> memref<512xi32, #tpu.memory_space<hbm>>
      %dma_start3A_768 = tpu.memref_slice %arg4[%mul3A_2] : memref<16384xi32, #tpu.memory_space<hbm>> -> memref<512xi32, #tpu.memory_space<hbm>>
      tpu.enqueue_dma source(%dma_start3A_768 : memref<512xi32, #tpu.memory_space<hbm>>) target(%arg7 : memref<512xi32, #tpu.memory_space<vmem>>) target_semaphore(%run_scoped3A : memref<!tpu.dma_semaphore, #tpu.memory_space<semaphore_mem>>)
      %dma_wait3A_769 = tpu.memref_slice %arg4[%mul3A_2] : memref<16384xi32, #tpu.memory_space<hbm>> -> memref<512xi32, #tpu.memory_space<hbm>>
      %dma_wait3A_770 = tpu.memref_slice %arg4[%mul3A_2] : memref<16384xi32, #tpu.memory_space<hbm>> -> memref<512xi32, #tpu.memory_space<hbm>>
      tpu.wait_dma2 semaphore(%run_scoped3A : memref<!tpu.dma_semaphore, #tpu.memory_space<semaphore_mem>>) src(%dma_wait3A_770 : memref<512xi32, #tpu.memory_space<hbm>>) dst(%arg7 : memref<512xi32, #tpu.memory_space<vmem>>)
      tpu.yield
    }) : () -> ()
    %get3A = arith.constant 0 : index
    %get3A_3 = tpu.vector_load %arg6[%get3A] {strides = array<i32>} : memref<512xi32, #tpu.memory_space<vmem>>, vector<16xi32>,
    %get3A_4 = vector.shape_cast %get3A_3 : vector<16xi32> to vector<16xi32>
    %mul3A_5 = arith.constant 512 : i32
    %mul3A_6 = vector.broadcast %mul3A_5 : i32 to vector<16xi32>
    %mul3A_7 = arith.muli %get3A_4, %mul3A_6 : vector<16xi32>
    %get3A_8 = arith.constant 0 : index
    %get3A_9 = tpu.vector_load %arg7[%get3A_8] {strides = array<i32>} : memref<512xi32, #tpu.memory_space<vmem>>, vector<16xi32>,
    %get3A_10 = vector.shape_cast %get3A_9 : vector<16xi32> to vector<16xi32>
    %add3A_11 = arith.addi %mul3A_7, %get3A_10 : vector<16xi32>
    %swap3A = arith.constant 0 : i32
    %swap3A_12 = arith.constant 0 : i32
    %swap3A_13 = tpu.memref_slice %arg8[%swap3A, %swap3A_12] : memref<8x64xi32, #tpu.memory_space<vmem>> -> memref<1x64xi32, #tpu.memory_space<vmem>>
    %swap3A_14 = tpu.memref_squeeze %swap3A_13 : memref<1x64xi32, #tpu.memory_space<vmem>> -> memref<64xi32, #tpu.memory_space<vmem>>
    %swap3A_15 = arith.constant 0 : index
    %swap3A_16 = tpu.vector_load %swap3A_14[%swap3A_15] {strides = array<i32>} : memref<64xi32, #tpu.memory_space<vmem>>, vector<16xi32>,
    %swap3A_17 = vector.shape_cast %swap3A_16 : vector<16xi32> to vector<16xi32>
    %swap3A_18 = vector.shape_cast %add3A_11 : vector<16xi32> to vector<16xi32>
    tpu.vector_store %swap3A_14[%swap3A_15], %swap3A_18 {strides = array<i32>} : memref<64xi32, #tpu.memory_space<vmem>>, vector<16xi32>,
    %get3A_19 = arith.constant 16 : index
    %get3A_20 = tpu.vector_load %arg6[%get3A_19] {strides = array<i32>} : memref<512xi32, #tpu.memory_space<vmem>>, vector<16xi32>,
    %get3A_21 = vector.shape_cast %get3A_20 : vector<16xi32> to vector<16xi32>
    %mul3A_22 = arith.constant 512 : i32
    %mul3A_23 = vector.broadcast %mul3A_22 : i32 to vector<16xi32>
    %mul3A_24 = arith.muli %get3A_21, %mul3A_23 : vector<16xi32>
    %get3A_25 = arith.constant 16 : index
    %get3A_26 = tpu.vector_load %arg7[%get3A_25] {strides = array<i32>} : memref<512xi32, #tpu.memory_space<vmem>>, vector<16xi32>,
    %get3A_27 = vector.shape_cast %get3A_26 : vector<16xi32> to vector<16xi32>
    %add3A_28 = arith.addi %mul3A_24, %get3A_27 : vector<16xi32>
    %swap3A_29 = arith.constant 0 : i32
    %swap3A_30 = arith.constant 0 : i32
    %swap3A_31 = tpu.memref_slice %arg8[%swap3A_29, %swap3A_30] : memref<8x64xi32, #tpu.memory_space<vmem>> -> memref<1x64xi32, #tpu.memory_space<vmem>>
    %swap3A_32 = tpu.memref_squeeze %swap3A_31 : memref<1x64xi32, #tpu.memory_space<vmem>> -> memref<64xi32, #tpu.memory_space<vmem>>
    %swap3A_33 = arith.constant 16 : index
    %swap3A_34 = tpu.vector_load %swap3A_32[%swap3A_33] {strides = array<i32>} : memref<64xi32, #tpu.memory_space<vmem>>, vector<16xi32>,
    %swap3A_35 = vector.shape_cast %swap3A_34 : vector<16xi32> to vector<16xi32>
    %swap3A_36 = vector.shape_cast %add3A_28 : vector<16xi32> to vector<16xi32>
    tpu.vector_store %swap3A_32[%swap3A_33], %swap3A_36 {strides = array<i32>} : memref<64xi32, #tpu.memory_space<vmem>>, vector<16xi32>,
    %get3A_37 = arith.constant 32 : index
    %get3A_38 = tpu.vector_load %arg6[%get3A_37] {strides = array<i32>} : memref<512xi32, #tpu.memory_space<vmem>>, vector<16xi32>,
    %get3A_39 = vector.shape_cast %get3A_38 : vector<16xi32> to vector<16xi32>
    %mul3A_40 = arith.constant 512 : i32
    %mul3A_41 = vector.broadcast %mul3A_40 : i32 to vector<16xi32>
    %mul3A_42 = arith.muli %get3A_39, %mul3A_41 : vector<16xi32>
    %get3A_43 = arith.constant 32 : index
    %get3A_44 = tpu.vector_load %arg7[%get3A_43] {strides = array<i32>} : memref<512xi32, #tpu.memory_space<vmem>>, vector<16xi32>,
    %get3A_45 = vector.shape_cast %get3A_44 : vector<16xi32> to vector<16xi32>
    %add3A_46 = arith.addi %mul3A_42, %get3A_45 : vector<16xi32>
    %swap3A_47 = arith.constant 0 : i32
    %swap3A_48 = arith.constant 0 : i32
    %swap3A_49 = tpu.memref_slice %arg8[%swap3A_47, %swap3A_48] : memref<8x64xi32, #tpu.memory_space<vmem>> -> memref<1x64xi32, #tpu.memory_space<vmem>>
    %swap3A_50 = tpu.memref_squeeze %swap3A_49 : memref<1x64xi32, #tpu.memory_space<vmem>> -> memref<64xi32, #tpu.memory_space<vmem>>
    %swap3A_51 = arith.constant 32 : index
    %swap3A_52 = tpu.vector_load %swap3A_50[%swap3A_51] {strides = array<i32>} : memref<64xi32, #tpu.memory_space<vmem>>, vector<16xi32>,
    %swap3A_53 = vector.shape_cast %swap3A_52 : vector<16xi32> to vector<16xi32>
    %swap3A_54 = vector.shape_cast %add3A_46 : vector<16xi32> to vector<16xi32>
    tpu.vector_store %swap3A_50[%swap3A_51], %swap3A_54 {strides = array<i32>} : memref<64xi32, #tpu.memory_space<vmem>>, vector<16xi32>,
    %get3A_55 = arith.constant 48 : index
    %get3A_56 = tpu.vector_load %arg6[%get3A_55] {strides = array<i32>} : memref<512xi32, #tpu.memory_space<vmem>>, vector<16xi32>,
    %get3A_57 = vector.shape_cast %get3A_56 : vector<16xi32> to vector<16xi32>
    %mul3A_58 = arith.constant 512 : i32
    %mul3A_59 = vector.broadcast %mul3A_58 : i32 to vector<16xi32>
    %mul3A_60 = arith.muli %get3A_57, %mul3A_59 : vector<16xi32>
    %get3A_61 = arith.constant 48 : index
    %get3A_62 = tpu.vector_load %arg7[%get3A_61] {strides = array<i32>} : memref<512xi32, #tpu.memory_space<vmem>>, vector<16xi32>,
    %get3A_63 = vector.shape_cast %get3A_62 : vector<16xi32> to vector<16xi32>
    %add3A_64 = arith.addi %mul3A_60, %get3A_63 : vector<16xi32>
    %swap3A_65 = arith.constant 0 : i32
    %swap3A_66 = arith.constant 0 : i32
    %swap3A_67 = tpu.memref_slice %arg8[%swap3A_65, %swap3A_66] : memref<8x64xi32, #tpu.memory_space<vmem>> -> memref<1x64xi32, #tpu.memory_space<vmem>>
    %swap3A_68 = tpu.memref_squeeze %swap3A_67 : memref<1x64xi32, #tpu.memory_space<vmem>> -> memref<64xi32, #tpu.memory_space<vmem>>
    %swap3A_69 = arith.constant 48 : index
    %swap3A_70 = tpu.vector_load %swap3A_68[%swap3A_69] {strides = array<i32>} : memref<64xi32, #tpu.memory_space<vmem>>, vector<16xi32>,
    %swap3A_71 = vector.shape_cast %swap3A_70 : vector<16xi32> to vector<16xi32>
    %swap3A_72 = vector.shape_cast %add3A_64 : vector<16xi32> to vector<16xi32>
    tpu.vector_store %swap3A_68[%swap3A_69], %swap3A_72 {strides = array<i32>} : memref<64xi32, #tpu.memory_space<vmem>>, vector<16xi32>,
    %get3A_73 = arith.constant 64 : index
    %get3A_74 = tpu.vector_load %arg6[%get3A_73] {strides = array<i32>} : memref<512xi32, #tpu.memory_space<vmem>>, vector<16xi32>,
    %get3A_75 = vector.shape_cast %get3A_74 : vector<16xi32> to vector<16xi32>
    %mul3A_76 = arith.constant 512 : i32
    %mul3A_77 = vector.broadcast %mul3A_76 : i32 to vector<16xi32>
    %mul3A_78 = arith.muli %get3A_75, %mul3A_77 : vector<16xi32>
    %get3A_79 = arith.constant 64 : index
    %get3A_80 = tpu.vector_load %arg7[%get3A_79] {strides = array<i32>} : memref<512xi32, #tpu.memory_space<vmem>>, vector<16xi32>,
    %get3A_81 = vector.shape_cast %get3A_80 : vector<16xi32> to vector<16xi32>
    %add3A_82 = arith.addi %mul3A_78, %get3A_81 : vector<16xi32>
    %swap3A_83 = arith.constant 1 : i32
    %swap3A_84 = arith.constant 0 : i32
    %swap3A_85 = tpu.memref_slice %arg8[%swap3A_83, %swap3A_84] : memref<8x64xi32, #tpu.memory_space<vmem>> -> memref<1x64xi32, #tpu.memory_space<vmem>>
    %swap3A_86 = tpu.memref_squeeze %swap3A_85 : memref<1x64xi32, #tpu.memory_space<vmem>> -> memref<64xi32, #tpu.memory_space<vmem>>
    %swap3A_87 = arith.constant 0 : index
    %swap3A_88 = tpu.vector_load %swap3A_86[%swap3A_87] {strides = array<i32>} : memref<64xi32, #tpu.memory_space<vmem>>, vector<16xi32>,
    %swap3A_89 = vector.shape_cast %swap3A_88 : vector<16xi32> to vector<16xi32>
    %swap3A_90 = vector.shape_cast %add3A_82 : vector<16xi32> to vector<16xi32>
    tpu.vector_store %swap3A_86[%swap3A_87], %swap3A_90 {strides = array<i32>} : memref<64xi32, #tpu.memory_space<vmem>>, vector<16xi32>,
    %get3A_91 = arith.constant 80 : index
    %get3A_92 = tpu.vector_load %arg6[%get3A_91] {strides = array<i32>} : memref<512xi32, #tpu.memory_space<vmem>>, vector<16xi32>,
    %get3A_93 = vector.shape_cast %get3A_92 : vector<16xi32> to vector<16xi32>
    %mul3A_94 = arith.constant 512 : i32
    %mul3A_95 = vector.broadcast %mul3A_94 : i32 to vector<16xi32>
    %mul3A_96 = arith.muli %get3A_93, %mul3A_95 : vector<16xi32>
    %get3A_97 = arith.constant 80 : index
    %get3A_98 = tpu.vector_load %arg7[%get3A_97] {strides = array<i32>} : memref<512xi32, #tpu.memory_space<vmem>>, vector<16xi32>,
    %get3A_99 = vector.shape_cast %get3A_98 : vector<16xi32> to vector<16xi32>
    %add3A_100 = arith.addi %mul3A_96, %get3A_99 : vector<16xi32>
    %swap3A_101 = arith.constant 1 : i32
    %swap3A_102 = arith.constant 0 : i32
    %swap3A_103 = tpu.memref_slice %arg8[%swap3A_101, %swap3A_102] : memref<8x64xi32, #tpu.memory_space<vmem>> -> memref<1x64xi32, #tpu.memory_space<vmem>>
    %swap3A_104 = tpu.memref_squeeze %swap3A_103 : memref<1x64xi32, #tpu.memory_space<vmem>> -> memref<64xi32, #tpu.memory_space<vmem>>
    %swap3A_105 = arith.constant 16 : index
    %swap3A_106 = tpu.vector_load %swap3A_104[%swap3A_105] {strides = array<i32>} : memref<64xi32, #tpu.memory_space<vmem>>, vector<16xi32>,
    %swap3A_107 = vector.shape_cast %swap3A_106 : vector<16xi32> to vector<16xi32>
    %swap3A_108 = vector.shape_cast %add3A_100 : vector<16xi32> to vector<16xi32>
    tpu.vector_store %swap3A_104[%swap3A_105], %swap3A_108 {strides = array<i32>} : memref<64xi32, #tpu.memory_space<vmem>>, vector<16xi32>,
    %get3A_109 = arith.constant 96 : index
    %get3A_110 = tpu.vector_load %arg6[%get3A_109] {strides = array<i32>} : memref<512xi32, #tpu.memory_space<vmem>>, vector<16xi32>,
    %get3A_111 = vector.shape_cast %get3A_110 : vector<16xi32> to vector<16xi32>
    %mul3A_112 = arith.constant 512 : i32
    %mul3A_113 = vector.broadcast %mul3A_112 : i32 to vector<16xi32>
    %mul3A_114 = arith.muli %get3A_111, %mul3A_113 : vector<16xi32>
    %get3A_115 = arith.constant 96 : index
    %get3A_116 = tpu.vector_load %arg7[%get3A_115] {strides = array<i32>} : memref<512xi32, #tpu.memory_space<vmem>>, vector<16xi32>,
    %get3A_117 = vector.shape_cast %get3A_116 : vector<16xi32> to vector<16xi32>
    %add3A_118 = arith.addi %mul3A_114, %get3A_117 : vector<16xi32>
    %swap3A_119 = arith.constant 1 : i32
    %swap3A_120 = arith.constant 0 : i32
    %swap3A_121 = tpu.memref_slice %arg8[%swap3A_119, %swap3A_120] : memref<8x64xi32, #tpu.memory_space<vmem>> -> memref<1x64xi32, #tpu.memory_space<vmem>>
    %swap3A_122 = tpu.memref_squeeze %swap3A_121 : memref<1x64xi32, #tpu.memory_space<vmem>> -> memref<64xi32, #tpu.memory_space<vmem>>
    %swap3A_123 = arith.constant 32 : index
    %swap3A_124 = tpu.vector_load %swap3A_122[%swap3A_123] {strides = array<i32>} : memref<64xi32, #tpu.memory_space<vmem>>, vector<16xi32>,
    %swap3A_125 = vector.shape_cast %swap3A_124 : vector<16xi32> to vector<16xi32>
    %swap3A_126 = vector.shape_cast %add3A_118 : vector<16xi32> to vector<16xi32>
    tpu.vector_store %swap3A_122[%swap3A_123], %swap3A_126 {strides = array<i32>} : memref<64xi32, #tpu.memory_space<vmem>>, vector<16xi32>,
    %get3A_127 = arith.constant 112 : index
    %get3A_128 = tpu.vector_load %arg6[%get3A_127] {strides = array<i32>} : memref<512xi32, #tpu.memory_space<vmem>>, vector<16xi32>,
    %get3A_129 = vector.shape_cast %get3A_128 : vector<16xi32> to vector<16xi32>
    %mul3A_130 = arith.constant 512 : i32
    %mul3A_131 = vector.broadcast %mul3A_130 : i32 to vector<16xi32>
    %mul3A_132 = arith.muli %get3A_129, %mul3A_131 : vector<16xi32>
    %get3A_133 = arith.constant 112 : index
    %get3A_134 = tpu.vector_load %arg7[%get3A_133] {strides = array<i32>} : memref<512xi32, #tpu.memory_space<vmem>>, vector<16xi32>,
    %get3A_135 = vector.shape_cast %get3A_134 : vector<16xi32> to vector<16xi32>
    %add3A_136 = arith.addi %mul3A_132, %get3A_135 : vector<16xi32>
    %swap3A_137 = arith.constant 1 : i32
    %swap3A_138 = arith.constant 0 : i32
    %swap3A_139 = tpu.memref_slice %arg8[%swap3A_137, %swap3A_138] : memref<8x64xi32, #tpu.memory_space<vmem>> -> memref<1x64xi32, #tpu.memory_space<vmem>>
    %swap3A_140 = tpu.memref_squeeze %swap3A_139 : memref<1x64xi32, #tpu.memory_space<vmem>> -> memref<64xi32, #tpu.memory_space<vmem>>
    %swap3A_141 = arith.constant 48 : index
    %swap3A_142 = tpu.vector_load %swap3A_140[%swap3A_141] {strides = array<i32>} : memref<64xi32, #tpu.memory_space<vmem>>, vector<16xi32>,
    %swap3A_143 = vector.shape_cast %swap3A_142 : vector<16xi32> to vector<16xi32>
    %swap3A_144 = vector.shape_cast %add3A_136 : vector<16xi32> to vector<16xi32>
    tpu.vector_store %swap3A_140[%swap3A_141], %swap3A_144 {strides = array<i32>} : memref<64xi32, #tpu.memory_space<vmem>>, vector<16xi32>,
    %get3A_145 = arith.constant 128 : index
    %get3A_146 = tpu.vector_load %arg6[%get3A_145] {strides = array<i32>} : memref<512xi32, #tpu.memory_space<vmem>>, vector<16xi32>,
    %get3A_147 = vector.shape_cast %get3A_146 : vector<16xi32> to vector<16xi32>
    %mul3A_148 = arith.constant 512 : i32
    %mul3A_149 = vector.broadcast %mul3A_148 : i32 to vector<16xi32>
    %mul3A_150 = arith.muli %get3A_147, %mul3A_149 : vector<16xi32>
    %get3A_151 = arith.constant 128 : index
    %get3A_152 = tpu.vector_load %arg7[%get3A_151] {strides = array<i32>} : memref<512xi32, #tpu.memory_space<vmem>>, vector<16xi32>,
    %get3A_153 = vector.shape_cast %get3A_152 : vector<16xi32> to vector<16xi32>
    %add3A_154 = arith.addi %mul3A_150, %get3A_153 : vector<16xi32>
    %swap3A_155 = arith.constant 2 : i32
    %swap3A_156 = arith.constant 0 : i32
    %swap3A_157 = tpu.memref_slice %arg8[%swap3A_155, %swap3A_156] : memref<8x64xi32, #tpu.memory_space<vmem>> -> memref<1x64xi32, #tpu.memory_space<vmem>>
    %swap3A_158 = tpu.memref_squeeze %swap3A_157 : memref<1x64xi32, #tpu.memory_space<vmem>> -> memref<64xi32, #tpu.memory_space<vmem>>
    %swap3A_159 = arith.constant 0 : index
    %swap3A_160 = tpu.vector_load %swap3A_158[%swap3A_159] {strides = array<i32>} : memref<64xi32, #tpu.memory_space<vmem>>, vector<16xi32>,
    %swap3A_161 = vector.shape_cast %swap3A_160 : vector<16xi32> to vector<16xi32>
    %swap3A_162 = vector.shape_cast %add3A_154 : vector<16xi32> to vector<16xi32>
    tpu.vector_store %swap3A_158[%swap3A_159], %swap3A_162 {strides = array<i32>} : memref<64xi32, #tpu.memory_space<vmem>>, vector<16xi32>,
    %get3A_163 = arith.constant 144 : index
    %get3A_164 = tpu.vector_load %arg6[%get3A_163] {strides = array<i32>} : memref<512xi32, #tpu.memory_space<vmem>>, vector<16xi32>,
    %get3A_165 = vector.shape_cast %get3A_164 : vector<16xi32> to vector<16xi32>
    %mul3A_166 = arith.constant 512 : i32
    %mul3A_167 = vector.broadcast %mul3A_166 : i32 to vector<16xi32>
    %mul3A_168 = arith.muli %get3A_165, %mul3A_167 : vector<16xi32>
    %get3A_169 = arith.constant 144 : index
    %get3A_170 = tpu.vector_load %arg7[%get3A_169] {strides = array<i32>} : memref<512xi32, #tpu.memory_space<vmem>>, vector<16xi32>,
    %get3A_171 = vector.shape_cast %get3A_170 : vector<16xi32> to vector<16xi32>
    %add3A_172 = arith.addi %mul3A_168, %get3A_171 : vector<16xi32>
    %swap3A_173 = arith.constant 2 : i32
    %swap3A_174 = arith.constant 0 : i32
    %swap3A_175 = tpu.memref_slice %arg8[%swap3A_173, %swap3A_174] : memref<8x64xi32, #tpu.memory_space<vmem>> -> memref<1x64xi32, #tpu.memory_space<vmem>>
    %swap3A_176 = tpu.memref_squeeze %swap3A_175 : memref<1x64xi32, #tpu.memory_space<vmem>> -> memref<64xi32, #tpu.memory_space<vmem>>
    %swap3A_177 = arith.constant 16 : index
    %swap3A_178 = tpu.vector_load %swap3A_176[%swap3A_177] {strides = array<i32>} : memref<64xi32, #tpu.memory_space<vmem>>, vector<16xi32>,
    %swap3A_179 = vector.shape_cast %swap3A_178 : vector<16xi32> to vector<16xi32>
    %swap3A_180 = vector.shape_cast %add3A_172 : vector<16xi32> to vector<16xi32>
    tpu.vector_store %swap3A_176[%swap3A_177], %swap3A_180 {strides = array<i32>} : memref<64xi32, #tpu.memory_space<vmem>>, vector<16xi32>,
    %get3A_181 = arith.constant 160 : index
    %get3A_182 = tpu.vector_load %arg6[%get3A_181] {strides = array<i32>} : memref<512xi32, #tpu.memory_space<vmem>>, vector<16xi32>,
    %get3A_183 = vector.shape_cast %get3A_182 : vector<16xi32> to vector<16xi32>
    %mul3A_184 = arith.constant 512 : i32
    %mul3A_185 = vector.broadcast %mul3A_184 : i32 to vector<16xi32>
    %mul3A_186 = arith.muli %get3A_183, %mul3A_185 : vector<16xi32>
    %get3A_187 = arith.constant 160 : index
    %get3A_188 = tpu.vector_load %arg7[%get3A_187] {strides = array<i32>} : memref<512xi32, #tpu.memory_space<vmem>>, vector<16xi32>,
    %get3A_189 = vector.shape_cast %get3A_188 : vector<16xi32> to vector<16xi32>
    %add3A_190 = arith.addi %mul3A_186, %get3A_189 : vector<16xi32>
    %swap3A_191 = arith.constant 2 : i32
    %swap3A_192 = arith.constant 0 : i32
    %swap3A_193 = tpu.memref_slice %arg8[%swap3A_191, %swap3A_192] : memref<8x64xi32, #tpu.memory_space<vmem>> -> memref<1x64xi32, #tpu.memory_space<vmem>>
    %swap3A_194 = tpu.memref_squeeze %swap3A_193 : memref<1x64xi32, #tpu.memory_space<vmem>> -> memref<64xi32, #tpu.memory_space<vmem>>
    %swap3A_195 = arith.constant 32 : index
    %swap3A_196 = tpu.vector_load %swap3A_194[%swap3A_195] {strides = array<i32>} : memref<64xi32, #tpu.memory_space<vmem>>, vector<16xi32>,
    %swap3A_197 = vector.shape_cast %swap3A_196 : vector<16xi32> to vector<16xi32>
    %swap3A_198 = vector.shape_cast %add3A_190 : vector<16xi32> to vector<16xi32>
    tpu.vector_store %swap3A_194[%swap3A_195], %swap3A_198 {strides = array<i32>} : memref<64xi32, #tpu.memory_space<vmem>>, vector<16xi32>,
    %get3A_199 = arith.constant 176 : index
    %get3A_200 = tpu.vector_load %arg6[%get3A_199] {strides = array<i32>} : memref<512xi32, #tpu.memory_space<vmem>>, vector<16xi32>,
    %get3A_201 = vector.shape_cast %get3A_200 : vector<16xi32> to vector<16xi32>
    %mul3A_202 = arith.constant 512 : i32
    %mul3A_203 = vector.broadcast %mul3A_202 : i32 to vector<16xi32>
    %mul3A_204 = arith.muli %get3A_201, %mul3A_203 : vector<16xi32>
    %get3A_205 = arith.constant 176 : index
    %get3A_206 = tpu.vector_load %arg7[%get3A_205] {strides = array<i32>} : memref<512xi32, #tpu.memory_space<vmem>>, vector<16xi32>,
    %get3A_207 = vector.shape_cast %get3A_206 : vector<16xi32> to vector<16xi32>
    %add3A_208 = arith.addi %mul3A_204, %get3A_207 : vector<16xi32>
    %swap3A_209 = arith.constant 2 : i32
    %swap3A_210 = arith.constant 0 : i32
    %swap3A_211 = tpu.memref_slice %arg8[%swap3A_209, %swap3A_210] : memref<8x64xi32, #tpu.memory_space<vmem>> -> memref<1x64xi32, #tpu.memory_space<vmem>>
    %swap3A_212 = tpu.memref_squeeze %swap3A_211 : memref<1x64xi32, #tpu.memory_space<vmem>> -> memref<64xi32, #tpu.memory_space<vmem>>
    %swap3A_213 = arith.constant 48 : index
    %swap3A_214 = tpu.vector_load %swap3A_212[%swap3A_213] {strides = array<i32>} : memref<64xi32, #tpu.memory_space<vmem>>, vector<16xi32>,
    %swap3A_215 = vector.shape_cast %swap3A_214 : vector<16xi32> to vector<16xi32>
    %swap3A_216 = vector.shape_cast %add3A_208 : vector<16xi32> to vector<16xi32>
    tpu.vector_store %swap3A_212[%swap3A_213], %swap3A_216 {strides = array<i32>} : memref<64xi32, #tpu.memory_space<vmem>>, vector<16xi32>,
    %get3A_217 = arith.constant 192 : index
    %get3A_218 = tpu.vector_load %arg6[%get3A_217] {strides = array<i32>} : memref<512xi32, #tpu.memory_space<vmem>>, vector<16xi32>,
    %get3A_219 = vector.shape_cast %get3A_218 : vector<16xi32> to vector<16xi32>
    %mul3A_220 = arith.constant 512 : i32
    %mul3A_221 = vector.broadcast %mul3A_220 : i32 to vector<16xi32>
    %mul3A_222 = arith.muli %get3A_219, %mul3A_221 : vector<16xi32>
    %get3A_223 = arith.constant 192 : index
    %get3A_224 = tpu.vector_load %arg7[%get3A_223] {strides = array<i32>} : memref<512xi32, #tpu.memory_space<vmem>>, vector<16xi32>,
    %get3A_225 = vector.shape_cast %get3A_224 : vector<16xi32> to vector<16xi32>
    %add3A_226 = arith.addi %mul3A_222, %get3A_225 : vector<16xi32>
    %swap3A_227 = arith.constant 3 : i32
    %swap3A_228 = arith.constant 0 : i32
    %swap3A_229 = tpu.memref_slice %arg8[%swap3A_227, %swap3A_228] : memref<8x64xi32, #tpu.memory_space<vmem>> -> memref<1x64xi32, #tpu.memory_space<vmem>>
    %swap3A_230 = tpu.memref_squeeze %swap3A_229 : memref<1x64xi32, #tpu.memory_space<vmem>> -> memref<64xi32, #tpu.memory_space<vmem>>
    %swap3A_231 = arith.constant 0 : index
    %swap3A_232 = tpu.vector_load %swap3A_230[%swap3A_231] {strides = array<i32>} : memref<64xi32, #tpu.memory_space<vmem>>, vector<16xi32>,
    %swap3A_233 = vector.shape_cast %swap3A_232 : vector<16xi32> to vector<16xi32>
    %swap3A_234 = vector.shape_cast %add3A_226 : vector<16xi32> to vector<16xi32>
    tpu.vector_store %swap3A_230[%swap3A_231], %swap3A_234 {strides = array<i32>} : memref<64xi32, #tpu.memory_space<vmem>>, vector<16xi32>,
    %get3A_235 = arith.constant 208 : index
    %get3A_236 = tpu.vector_load %arg6[%get3A_235] {strides = array<i32>} : memref<512xi32, #tpu.memory_space<vmem>>, vector<16xi32>,
    %get3A_237 = vector.shape_cast %get3A_236 : vector<16xi32> to vector<16xi32>
    %mul3A_238 = arith.constant 512 : i32
    %mul3A_239 = vector.broadcast %mul3A_238 : i32 to vector<16xi32>
    %mul3A_240 = arith.muli %get3A_237, %mul3A_239 : vector<16xi32>
    %get3A_241 = arith.constant 208 : index
    %get3A_242 = tpu.vector_load %arg7[%get3A_241] {strides = array<i32>} : memref<512xi32, #tpu.memory_space<vmem>>, vector<16xi32>,
    %get3A_243 = vector.shape_cast %get3A_242 : vector<16xi32> to vector<16xi32>
    %add3A_244 = arith.addi %mul3A_240, %get3A_243 : vector<16xi32>
    %swap3A_245 = arith.constant 3 : i32
    %swap3A_246 = arith.constant 0 : i32
    %swap3A_247 = tpu.memref_slice %arg8[%swap3A_245, %swap3A_246] : memref<8x64xi32, #tpu.memory_space<vmem>> -> memref<1x64xi32, #tpu.memory_space<vmem>>
    %swap3A_248 = tpu.memref_squeeze %swap3A_247 : memref<1x64xi32, #tpu.memory_space<vmem>> -> memref<64xi32, #tpu.memory_space<vmem>>
    %swap3A_249 = arith.constant 16 : index
    %swap3A_250 = tpu.vector_load %swap3A_248[%swap3A_249] {strides = array<i32>} : memref<64xi32, #tpu.memory_space<vmem>>, vector<16xi32>,
    %swap3A_251 = vector.shape_cast %swap3A_250 : vector<16xi32> to vector<16xi32>
    %swap3A_252 = vector.shape_cast %add3A_244 : vector<16xi32> to vector<16xi32>
    tpu.vector_store %swap3A_248[%swap3A_249], %swap3A_252 {strides = array<i32>} : memref<64xi32, #tpu.memory_space<vmem>>, vector<16xi32>,
    %get3A_253 = arith.constant 224 : index
    %get3A_254 = tpu.vector_load %arg6[%get3A_253] {strides = array<i32>} : memref<512xi32, #tpu.memory_space<vmem>>, vector<16xi32>,
    %get3A_255 = vector.shape_cast %get3A_254 : vector<16xi32> to vector<16xi32>
    %mul3A_256 = arith.constant 512 : i32
    %mul3A_257 = vector.broadcast %mul3A_256 : i32 to vector<16xi32>
    %mul3A_258 = arith.muli %get3A_255, %mul3A_257 : vector<16xi32>
    %get3A_259 = arith.constant 224 : index
    %get3A_260 = tpu.vector_load %arg7[%get3A_259] {strides = array<i32>} : memref<512xi32, #tpu.memory_space<vmem>>, vector<16xi32>,
    %get3A_261 = vector.shape_cast %get3A_260 : vector<16xi32> to vector<16xi32>
    %add3A_262 = arith.addi %mul3A_258, %get3A_261 : vector<16xi32>
    %swap3A_263 = arith.constant 3 : i32
    %swap3A_264 = arith.constant 0 : i32
    %swap3A_265 = tpu.memref_slice %arg8[%swap3A_263, %swap3A_264] : memref<8x64xi32, #tpu.memory_space<vmem>> -> memref<1x64xi32, #tpu.memory_space<vmem>>
    %swap3A_266 = tpu.memref_squeeze %swap3A_265 : memref<1x64xi32, #tpu.memory_space<vmem>> -> memref<64xi32, #tpu.memory_space<vmem>>
    %swap3A_267 = arith.constant 32 : index
    %swap3A_268 = tpu.vector_load %swap3A_266[%swap3A_267] {strides = array<i32>} : memref<64xi32, #tpu.memory_space<vmem>>, vector<16xi32>,
    %swap3A_269 = vector.shape_cast %swap3A_268 : vector<16xi32> to vector<16xi32>
    %swap3A_270 = vector.shape_cast %add3A_262 : vector<16xi32> to vector<16xi32>
    tpu.vector_store %swap3A_266[%swap3A_267], %swap3A_270 {strides = array<i32>} : memref<64xi32, #tpu.memory_space<vmem>>, vector<16xi32>,
    %get3A_271 = arith.constant 240 : index
    %get3A_272 = tpu.vector_load %arg6[%get3A_271] {strides = array<i32>} : memref<512xi32, #tpu.memory_space<vmem>>, vector<16xi32>,
    %get3A_273 = vector.shape_cast %get3A_272 : vector<16xi32> to vector<16xi32>
    %mul3A_274 = arith.constant 512 : i32
    %mul3A_275 = vector.broadcast %mul3A_274 : i32 to vector<16xi32>
    %mul3A_276 = arith.muli %get3A_273, %mul3A_275 : vector<16xi32>
    %get3A_277 = arith.constant 240 : index
    %get3A_278 = tpu.vector_load %arg7[%get3A_277] {strides = array<i32>} : memref<512xi32, #tpu.memory_space<vmem>>, vector<16xi32>,
    %get3A_279 = vector.shape_cast %get3A_278 : vector<16xi32> to vector<16xi32>
    %add3A_280 = arith.addi %mul3A_276, %get3A_279 : vector<16xi32>
    %swap3A_281 = arith.constant 3 : i32
    %swap3A_282 = arith.constant 0 : i32
    %swap3A_283 = tpu.memref_slice %arg8[%swap3A_281, %swap3A_282] : memref<8x64xi32, #tpu.memory_space<vmem>> -> memref<1x64xi32, #tpu.memory_space<vmem>>
    %swap3A_284 = tpu.memref_squeeze %swap3A_283 : memref<1x64xi32, #tpu.memory_space<vmem>> -> memref<64xi32, #tpu.memory_space<vmem>>
    %swap3A_285 = arith.constant 48 : index
    %swap3A_286 = tpu.vector_load %swap3A_284[%swap3A_285] {strides = array<i32>} : memref<64xi32, #tpu.memory_space<vmem>>, vector<16xi32>,
    %swap3A_287 = vector.shape_cast %swap3A_286 : vector<16xi32> to vector<16xi32>
    %swap3A_288 = vector.shape_cast %add3A_280 : vector<16xi32> to vector<16xi32>
    tpu.vector_store %swap3A_284[%swap3A_285], %swap3A_288 {strides = array<i32>} : memref<64xi32, #tpu.memory_space<vmem>>, vector<16xi32>,
    %get3A_289 = arith.constant 256 : index
    %get3A_290 = tpu.vector_load %arg6[%get3A_289] {strides = array<i32>} : memref<512xi32, #tpu.memory_space<vmem>>, vector<16xi32>,
    %get3A_291 = vector.shape_cast %get3A_290 : vector<16xi32> to vector<16xi32>
    %mul3A_292 = arith.constant 512 : i32
    %mul3A_293 = vector.broadcast %mul3A_292 : i32 to vector<16xi32>
    %mul3A_294 = arith.muli %get3A_291, %mul3A_293 : vector<16xi32>
    %get3A_295 = arith.constant 256 : index
    %get3A_296 = tpu.vector_load %arg7[%get3A_295] {strides = array<i32>} : memref<512xi32, #tpu.memory_space<vmem>>, vector<16xi32>,
    %get3A_297 = vector.shape_cast %get3A_296 : vector<16xi32> to vector<16xi32>
    %add3A_298 = arith.addi %mul3A_294, %get3A_297 : vector<16xi32>
    %swap3A_299 = arith.constant 4 : i32
    %swap3A_300 = arith.constant 0 : i32
    %swap3A_301 = tpu.memref_slice %arg8[%swap3A_299, %swap3A_300] : memref<8x64xi32, #tpu.memory_space<vmem>> -> memref<1x64xi32, #tpu.memory_space<vmem>>
    %swap3A_302 = tpu.memref_squeeze %swap3A_301 : memref<1x64xi32, #tpu.memory_space<vmem>> -> memref<64xi32, #tpu.memory_space<vmem>>
    %swap3A_303 = arith.constant 0 : index
    %swap3A_304 = tpu.vector_load %swap3A_302[%swap3A_303] {strides = array<i32>} : memref<64xi32, #tpu.memory_space<vmem>>, vector<16xi32>,
    %swap3A_305 = vector.shape_cast %swap3A_304 : vector<16xi32> to vector<16xi32>
    %swap3A_306 = vector.shape_cast %add3A_298 : vector<16xi32> to vector<16xi32>
    tpu.vector_store %swap3A_302[%swap3A_303], %swap3A_306 {strides = array<i32>} : memref<64xi32, #tpu.memory_space<vmem>>, vector<16xi32>,
    %get3A_307 = arith.constant 272 : index
    %get3A_308 = tpu.vector_load %arg6[%get3A_307] {strides = array<i32>} : memref<512xi32, #tpu.memory_space<vmem>>, vector<16xi32>,
    %get3A_309 = vector.shape_cast %get3A_308 : vector<16xi32> to vector<16xi32>
    %mul3A_310 = arith.constant 512 : i32
    %mul3A_311 = vector.broadcast %mul3A_310 : i32 to vector<16xi32>
    %mul3A_312 = arith.muli %get3A_309, %mul3A_311 : vector<16xi32>
    %get3A_313 = arith.constant 272 : index
    %get3A_314 = tpu.vector_load %arg7[%get3A_313] {strides = array<i32>} : memref<512xi32, #tpu.memory_space<vmem>>, vector<16xi32>,
    %get3A_315 = vector.shape_cast %get3A_314 : vector<16xi32> to vector<16xi32>
    %add3A_316 = arith.addi %mul3A_312, %get3A_315 : vector<16xi32>
    %swap3A_317 = arith.constant 4 : i32
    %swap3A_318 = arith.constant 0 : i32
    %swap3A_319 = tpu.memref_slice %arg8[%swap3A_317, %swap3A_318] : memref<8x64xi32, #tpu.memory_space<vmem>> -> memref<1x64xi32, #tpu.memory_space<vmem>>
    %swap3A_320 = tpu.memref_squeeze %swap3A_319 : memref<1x64xi32, #tpu.memory_space<vmem>> -> memref<64xi32, #tpu.memory_space<vmem>>
    %swap3A_321 = arith.constant 16 : index
    %swap3A_322 = tpu.vector_load %swap3A_320[%swap3A_321] {strides = array<i32>} : memref<64xi32, #tpu.memory_space<vmem>>, vector<16xi32>,
    %swap3A_323 = vector.shape_cast %swap3A_322 : vector<16xi32> to vector<16xi32>
    %swap3A_324 = vector.shape_cast %add3A_316 : vector<16xi32> to vector<16xi32>
    tpu.vector_store %swap3A_320[%swap3A_321], %swap3A_324 {strides = array<i32>} : memref<64xi32, #tpu.memory_space<vmem>>, vector<16xi32>,
    %get3A_325 = arith.constant 288 : index
    %get3A_326 = tpu.vector_load %arg6[%get3A_325] {strides = array<i32>} : memref<512xi32, #tpu.memory_space<vmem>>, vector<16xi32>,
    %get3A_327 = vector.shape_cast %get3A_326 : vector<16xi32> to vector<16xi32>
    %mul3A_328 = arith.constant 512 : i32
    %mul3A_329 = vector.broadcast %mul3A_328 : i32 to vector<16xi32>
    %mul3A_330 = arith.muli %get3A_327, %mul3A_329 : vector<16xi32>
    %get3A_331 = arith.constant 288 : index
    %get3A_332 = tpu.vector_load %arg7[%get3A_331] {strides = array<i32>} : memref<512xi32, #tpu.memory_space<vmem>>, vector<16xi32>,
    %get3A_333 = vector.shape_cast %get3A_332 : vector<16xi32> to vector<16xi32>
    %add3A_334 = arith.addi %mul3A_330, %get3A_333 : vector<16xi32>
    %swap3A_335 = arith.constant 4 : i32
    %swap3A_336 = arith.constant 0 : i32
    %swap3A_337 = tpu.memref_slice %arg8[%swap3A_335, %swap3A_336] : memref<8x64xi32, #tpu.memory_space<vmem>> -> memref<1x64xi32, #tpu.memory_space<vmem>>
    %swap3A_338 = tpu.memref_squeeze %swap3A_337 : memref<1x64xi32, #tpu.memory_space<vmem>> -> memref<64xi32, #tpu.memory_space<vmem>>
    %swap3A_339 = arith.constant 32 : index
    %swap3A_340 = tpu.vector_load %swap3A_338[%swap3A_339] {strides = array<i32>} : memref<64xi32, #tpu.memory_space<vmem>>, vector<16xi32>,
    %swap3A_341 = vector.shape_cast %swap3A_340 : vector<16xi32> to vector<16xi32>
    %swap3A_342 = vector.shape_cast %add3A_334 : vector<16xi32> to vector<16xi32>
    tpu.vector_store %swap3A_338[%swap3A_339], %swap3A_342 {strides = array<i32>} : memref<64xi32, #tpu.memory_space<vmem>>, vector<16xi32>,
    %get3A_343 = arith.constant 304 : index
    %get3A_344 = tpu.vector_load %arg6[%get3A_343] {strides = array<i32>} : memref<512xi32, #tpu.memory_space<vmem>>, vector<16xi32>,
    %get3A_345 = vector.shape_cast %get3A_344 : vector<16xi32> to vector<16xi32>
    %mul3A_346 = arith.constant 512 : i32
    %mul3A_347 = vector.broadcast %mul3A_346 : i32 to vector<16xi32>
    %mul3A_348 = arith.muli %get3A_345, %mul3A_347 : vector<16xi32>
    %get3A_349 = arith.constant 304 : index
    %get3A_350 = tpu.vector_load %arg7[%get3A_349] {strides = array<i32>} : memref<512xi32, #tpu.memory_space<vmem>>, vector<16xi32>,
    %get3A_351 = vector.shape_cast %get3A_350 : vector<16xi32> to vector<16xi32>
    %add3A_352 = arith.addi %mul3A_348, %get3A_351 : vector<16xi32>
    %swap3A_353 = arith.constant 4 : i32
    %swap3A_354 = arith.constant 0 : i32
    %swap3A_355 = tpu.memref_slice %arg8[%swap3A_353, %swap3A_354] : memref<8x64xi32, #tpu.memory_space<vmem>> -> memref<1x64xi32, #tpu.memory_space<vmem>>
    %swap3A_356 = tpu.memref_squeeze %swap3A_355 : memref<1x64xi32, #tpu.memory_space<vmem>> -> memref<64xi32, #tpu.memory_space<vmem>>
    %swap3A_357 = arith.constant 48 : index
    %swap3A_358 = tpu.vector_load %swap3A_356[%swap3A_357] {strides = array<i32>} : memref<64xi32, #tpu.memory_space<vmem>>, vector<16xi32>,
    %swap3A_359 = vector.shape_cast %swap3A_358 : vector<16xi32> to vector<16xi32>
    %swap3A_360 = vector.shape_cast %add3A_352 : vector<16xi32> to vector<16xi32>
    tpu.vector_store %swap3A_356[%swap3A_357], %swap3A_360 {strides = array<i32>} : memref<64xi32, #tpu.memory_space<vmem>>, vector<16xi32>,
    %get3A_361 = arith.constant 320 : index
    %get3A_362 = tpu.vector_load %arg6[%get3A_361] {strides = array<i32>} : memref<512xi32, #tpu.memory_space<vmem>>, vector<16xi32>,
    %get3A_363 = vector.shape_cast %get3A_362 : vector<16xi32> to vector<16xi32>
    %mul3A_364 = arith.constant 512 : i32
    %mul3A_365 = vector.broadcast %mul3A_364 : i32 to vector<16xi32>
    %mul3A_366 = arith.muli %get3A_363, %mul3A_365 : vector<16xi32>
    %get3A_367 = arith.constant 320 : index
    %get3A_368 = tpu.vector_load %arg7[%get3A_367] {strides = array<i32>} : memref<512xi32, #tpu.memory_space<vmem>>, vector<16xi32>,
    %get3A_369 = vector.shape_cast %get3A_368 : vector<16xi32> to vector<16xi32>
    %add3A_370 = arith.addi %mul3A_366, %get3A_369 : vector<16xi32>
    %swap3A_371 = arith.constant 5 : i32
    %swap3A_372 = arith.constant 0 : i32
    %swap3A_373 = tpu.memref_slice %arg8[%swap3A_371, %swap3A_372] : memref<8x64xi32, #tpu.memory_space<vmem>> -> memref<1x64xi32, #tpu.memory_space<vmem>>
    %swap3A_374 = tpu.memref_squeeze %swap3A_373 : memref<1x64xi32, #tpu.memory_space<vmem>> -> memref<64xi32, #tpu.memory_space<vmem>>
    %swap3A_375 = arith.constant 0 : index
    %swap3A_376 = tpu.vector_load %swap3A_374[%swap3A_375] {strides = array<i32>} : memref<64xi32, #tpu.memory_space<vmem>>, vector<16xi32>,
    %swap3A_377 = vector.shape_cast %swap3A_376 : vector<16xi32> to vector<16xi32>
    %swap3A_378 = vector.shape_cast %add3A_370 : vector<16xi32> to vector<16xi32>
    tpu.vector_store %swap3A_374[%swap3A_375], %swap3A_378 {strides = array<i32>} : memref<64xi32, #tpu.memory_space<vmem>>, vector<16xi32>,
    %get3A_379 = arith.constant 336 : index
    %get3A_380 = tpu.vector_load %arg6[%get3A_379] {strides = array<i32>} : memref<512xi32, #tpu.memory_space<vmem>>, vector<16xi32>,
    %get3A_381 = vector.shape_cast %get3A_380 : vector<16xi32> to vector<16xi32>
    %mul3A_382 = arith.constant 512 : i32
    %mul3A_383 = vector.broadcast %mul3A_382 : i32 to vector<16xi32>
    %mul3A_384 = arith.muli %get3A_381, %mul3A_383 : vector<16xi32>
    %get3A_385 = arith.constant 336 : index
    %get3A_386 = tpu.vector_load %arg7[%get3A_385] {strides = array<i32>} : memref<512xi32, #tpu.memory_space<vmem>>, vector<16xi32>,
    %get3A_387 = vector.shape_cast %get3A_386 : vector<16xi32> to vector<16xi32>
    %add3A_388 = arith.addi %mul3A_384, %get3A_387 : vector<16xi32>
    %swap3A_389 = arith.constant 5 : i32
    %swap3A_390 = arith.constant 0 : i32
    %swap3A_391 = tpu.memref_slice %arg8[%swap3A_389, %swap3A_390] : memref<8x64xi32, #tpu.memory_space<vmem>> -> memref<1x64xi32, #tpu.memory_space<vmem>>
    %swap3A_392 = tpu.memref_squeeze %swap3A_391 : memref<1x64xi32, #tpu.memory_space<vmem>> -> memref<64xi32, #tpu.memory_space<vmem>>
    %swap3A_393 = arith.constant 16 : index
    %swap3A_394 = tpu.vector_load %swap3A_392[%swap3A_393] {strides = array<i32>} : memref<64xi32, #tpu.memory_space<vmem>>, vector<16xi32>,
    %swap3A_395 = vector.shape_cast %swap3A_394 : vector<16xi32> to vector<16xi32>
    %swap3A_396 = vector.shape_cast %add3A_388 : vector<16xi32> to vector<16xi32>
    tpu.vector_store %swap3A_392[%swap3A_393], %swap3A_396 {strides = array<i32>} : memref<64xi32, #tpu.memory_space<vmem>>, vector<16xi32>,
    %get3A_397 = arith.constant 352 : index
    %get3A_398 = tpu.vector_load %arg6[%get3A_397] {strides = array<i32>} : memref<512xi32, #tpu.memory_space<vmem>>, vector<16xi32>,
    %get3A_399 = vector.shape_cast %get3A_398 : vector<16xi32> to vector<16xi32>
    %mul3A_400 = arith.constant 512 : i32
    %mul3A_401 = vector.broadcast %mul3A_400 : i32 to vector<16xi32>
    %mul3A_402 = arith.muli %get3A_399, %mul3A_401 : vector<16xi32>
    %get3A_403 = arith.constant 352 : index
    %get3A_404 = tpu.vector_load %arg7[%get3A_403] {strides = array<i32>} : memref<512xi32, #tpu.memory_space<vmem>>, vector<16xi32>,
    %get3A_405 = vector.shape_cast %get3A_404 : vector<16xi32> to vector<16xi32>
    %add3A_406 = arith.addi %mul3A_402, %get3A_405 : vector<16xi32>
    %swap3A_407 = arith.constant 5 : i32
    %swap3A_408 = arith.constant 0 : i32
    %swap3A_409 = tpu.memref_slice %arg8[%swap3A_407, %swap3A_408] : memref<8x64xi32, #tpu.memory_space<vmem>> -> memref<1x64xi32, #tpu.memory_space<vmem>>
    %swap3A_410 = tpu.memref_squeeze %swap3A_409 : memref<1x64xi32, #tpu.memory_space<vmem>> -> memref<64xi32, #tpu.memory_space<vmem>>
    %swap3A_411 = arith.constant 32 : index
    %swap3A_412 = tpu.vector_load %swap3A_410[%swap3A_411] {strides = array<i32>} : memref<64xi32, #tpu.memory_space<vmem>>, vector<16xi32>,
    %swap3A_413 = vector.shape_cast %swap3A_412 : vector<16xi32> to vector<16xi32>
    %swap3A_414 = vector.shape_cast %add3A_406 : vector<16xi32> to vector<16xi32>
    tpu.vector_store %swap3A_410[%swap3A_411], %swap3A_414 {strides = array<i32>} : memref<64xi32, #tpu.memory_space<vmem>>, vector<16xi32>,
    %get3A_415 = arith.constant 368 : index
    %get3A_416 = tpu.vector_load %arg6[%get3A_415] {strides = array<i32>} : memref<512xi32, #tpu.memory_space<vmem>>, vector<16xi32>,
    %get3A_417 = vector.shape_cast %get3A_416 : vector<16xi32> to vector<16xi32>
    %mul3A_418 = arith.constant 512 : i32
    %mul3A_419 = vector.broadcast %mul3A_418 : i32 to vector<16xi32>
    %mul3A_420 = arith.muli %get3A_417, %mul3A_419 : vector<16xi32>
    %get3A_421 = arith.constant 368 : index
    %get3A_422 = tpu.vector_load %arg7[%get3A_421] {strides = array<i32>} : memref<512xi32, #tpu.memory_space<vmem>>, vector<16xi32>,
    %get3A_423 = vector.shape_cast %get3A_422 : vector<16xi32> to vector<16xi32>
    %add3A_424 = arith.addi %mul3A_420, %get3A_423 : vector<16xi32>
    %swap3A_425 = arith.constant 5 : i32
    %swap3A_426 = arith.constant 0 : i32
    %swap3A_427 = tpu.memref_slice %arg8[%swap3A_425, %swap3A_426] : memref<8x64xi32, #tpu.memory_space<vmem>> -> memref<1x64xi32, #tpu.memory_space<vmem>>
    %swap3A_428 = tpu.memref_squeeze %swap3A_427 : memref<1x64xi32, #tpu.memory_space<vmem>> -> memref<64xi32, #tpu.memory_space<vmem>>
    %swap3A_429 = arith.constant 48 : index
    %swap3A_430 = tpu.vector_load %swap3A_428[%swap3A_429] {strides = array<i32>} : memref<64xi32, #tpu.memory_space<vmem>>, vector<16xi32>,
    %swap3A_431 = vector.shape_cast %swap3A_430 : vector<16xi32> to vector<16xi32>
    %swap3A_432 = vector.shape_cast %add3A_424 : vector<16xi32> to vector<16xi32>
    tpu.vector_store %swap3A_428[%swap3A_429], %swap3A_432 {strides = array<i32>} : memref<64xi32, #tpu.memory_space<vmem>>, vector<16xi32>,
    %get3A_433 = arith.constant 384 : index
    %get3A_434 = tpu.vector_load %arg6[%get3A_433] {strides = array<i32>} : memref<512xi32, #tpu.memory_space<vmem>>, vector<16xi32>,
    %get3A_435 = vector.shape_cast %get3A_434 : vector<16xi32> to vector<16xi32>
    %mul3A_436 = arith.constant 512 : i32
    %mul3A_437 = vector.broadcast %mul3A_436 : i32 to vector<16xi32>
    %mul3A_438 = arith.muli %get3A_435, %mul3A_437 : vector<16xi32>
    %get3A_439 = arith.constant 384 : index
    %get3A_440 = tpu.vector_load %arg7[%get3A_439] {strides = array<i32>} : memref<512xi32, #tpu.memory_space<vmem>>, vector<16xi32>,
    %get3A_441 = vector.shape_cast %get3A_440 : vector<16xi32> to vector<16xi32>
    %add3A_442 = arith.addi %mul3A_438, %get3A_441 : vector<16xi32>
    %swap3A_443 = arith.constant 6 : i32
    %swap3A_444 = arith.constant 0 : i32
    %swap3A_445 = tpu.memref_slice %arg8[%swap3A_443, %swap3A_444] : memref<8x64xi32, #tpu.memory_space<vmem>> -> memref<1x64xi32, #tpu.memory_space<vmem>>
    %swap3A_446 = tpu.memref_squeeze %swap3A_445 : memref<1x64xi32, #tpu.memory_space<vmem>> -> memref<64xi32, #tpu.memory_space<vmem>>
    %swap3A_447 = arith.constant 0 : index
    %swap3A_448 = tpu.vector_load %swap3A_446[%swap3A_447] {strides = array<i32>} : memref<64xi32, #tpu.memory_space<vmem>>, vector<16xi32>,
    %swap3A_449 = vector.shape_cast %swap3A_448 : vector<16xi32> to vector<16xi32>
    %swap3A_450 = vector.shape_cast %add3A_442 : vector<16xi32> to vector<16xi32>
    tpu.vector_store %swap3A_446[%swap3A_447], %swap3A_450 {strides = array<i32>} : memref<64xi32, #tpu.memory_space<vmem>>, vector<16xi32>,
    %get3A_451 = arith.constant 400 : index
    %get3A_452 = tpu.vector_load %arg6[%get3A_451] {strides = array<i32>} : memref<512xi32, #tpu.memory_space<vmem>>, vector<16xi32>,
    %get3A_453 = vector.shape_cast %get3A_452 : vector<16xi32> to vector<16xi32>
    %mul3A_454 = arith.constant 512 : i32
    %mul3A_455 = vector.broadcast %mul3A_454 : i32 to vector<16xi32>
    %mul3A_456 = arith.muli %get3A_453, %mul3A_455 : vector<16xi32>
    %get3A_457 = arith.constant 400 : index
    %get3A_458 = tpu.vector_load %arg7[%get3A_457] {strides = array<i32>} : memref<512xi32, #tpu.memory_space<vmem>>, vector<16xi32>,
    %get3A_459 = vector.shape_cast %get3A_458 : vector<16xi32> to vector<16xi32>
    %add3A_460 = arith.addi %mul3A_456, %get3A_459 : vector<16xi32>
    %swap3A_461 = arith.constant 6 : i32
    %swap3A_462 = arith.constant 0 : i32
    %swap3A_463 = tpu.memref_slice %arg8[%swap3A_461, %swap3A_462] : memref<8x64xi32, #tpu.memory_space<vmem>> -> memref<1x64xi32, #tpu.memory_space<vmem>>
    %swap3A_464 = tpu.memref_squeeze %swap3A_463 : memref<1x64xi32, #tpu.memory_space<vmem>> -> memref<64xi32, #tpu.memory_space<vmem>>
    %swap3A_465 = arith.constant 16 : index
    %swap3A_466 = tpu.vector_load %swap3A_464[%swap3A_465] {strides = array<i32>} : memref<64xi32, #tpu.memory_space<vmem>>, vector<16xi32>,
    %swap3A_467 = vector.shape_cast %swap3A_466 : vector<16xi32> to vector<16xi32>
    %swap3A_468 = vector.shape_cast %add3A_460 : vector<16xi32> to vector<16xi32>
    tpu.vector_store %swap3A_464[%swap3A_465], %swap3A_468 {strides = array<i32>} : memref<64xi32, #tpu.memory_space<vmem>>, vector<16xi32>,
    %get3A_469 = arith.constant 416 : index
    %get3A_470 = tpu.vector_load %arg6[%get3A_469] {strides = array<i32>} : memref<512xi32, #tpu.memory_space<vmem>>, vector<16xi32>,
    %get3A_471 = vector.shape_cast %get3A_470 : vector<16xi32> to vector<16xi32>
    %mul3A_472 = arith.constant 512 : i32
    %mul3A_473 = vector.broadcast %mul3A_472 : i32 to vector<16xi32>
    %mul3A_474 = arith.muli %get3A_471, %mul3A_473 : vector<16xi32>
    %get3A_475 = arith.constant 416 : index
    %get3A_476 = tpu.vector_load %arg7[%get3A_475] {strides = array<i32>} : memref<512xi32, #tpu.memory_space<vmem>>, vector<16xi32>,
    %get3A_477 = vector.shape_cast %get3A_476 : vector<16xi32> to vector<16xi32>
    %add3A_478 = arith.addi %mul3A_474, %get3A_477 : vector<16xi32>
    %swap3A_479 = arith.constant 6 : i32
    %swap3A_480 = arith.constant 0 : i32
    %swap3A_481 = tpu.memref_slice %arg8[%swap3A_479, %swap3A_480] : memref<8x64xi32, #tpu.memory_space<vmem>> -> memref<1x64xi32, #tpu.memory_space<vmem>>
    %swap3A_482 = tpu.memref_squeeze %swap3A_481 : memref<1x64xi32, #tpu.memory_space<vmem>> -> memref<64xi32, #tpu.memory_space<vmem>>
    %swap3A_483 = arith.constant 32 : index
    %swap3A_484 = tpu.vector_load %swap3A_482[%swap3A_483] {strides = array<i32>} : memref<64xi32, #tpu.memory_space<vmem>>, vector<16xi32>,
    %swap3A_485 = vector.shape_cast %swap3A_484 : vector<16xi32> to vector<16xi32>
    %swap3A_486 = vector.shape_cast %add3A_478 : vector<16xi32> to vector<16xi32>
    tpu.vector_store %swap3A_482[%swap3A_483], %swap3A_486 {strides = array<i32>} : memref<64xi32, #tpu.memory_space<vmem>>, vector<16xi32>,
    %get3A_487 = arith.constant 432 : index
    %get3A_488 = tpu.vector_load %arg6[%get3A_487] {strides = array<i32>} : memref<512xi32, #tpu.memory_space<vmem>>, vector<16xi32>,
    %get3A_489 = vector.shape_cast %get3A_488 : vector<16xi32> to vector<16xi32>
    %mul3A_490 = arith.constant 512 : i32
    %mul3A_491 = vector.broadcast %mul3A_490 : i32 to vector<16xi32>
    %mul3A_492 = arith.muli %get3A_489, %mul3A_491 : vector<16xi32>
    %get3A_493 = arith.constant 432 : index
    %get3A_494 = tpu.vector_load %arg7[%get3A_493] {strides = array<i32>} : memref<512xi32, #tpu.memory_space<vmem>>, vector<16xi32>,
    %get3A_495 = vector.shape_cast %get3A_494 : vector<16xi32> to vector<16xi32>
    %add3A_496 = arith.addi %mul3A_492, %get3A_495 : vector<16xi32>
    %swap3A_497 = arith.constant 6 : i32
    %swap3A_498 = arith.constant 0 : i32
    %swap3A_499 = tpu.memref_slice %arg8[%swap3A_497, %swap3A_498] : memref<8x64xi32, #tpu.memory_space<vmem>> -> memref<1x64xi32, #tpu.memory_space<vmem>>
    %swap3A_500 = tpu.memref_squeeze %swap3A_499 : memref<1x64xi32, #tpu.memory_space<vmem>> -> memref<64xi32, #tpu.memory_space<vmem>>
    %swap3A_501 = arith.constant 48 : index
    %swap3A_502 = tpu.vector_load %swap3A_500[%swap3A_501] {strides = array<i32>} : memref<64xi32, #tpu.memory_space<vmem>>, vector<16xi32>,
    %swap3A_503 = vector.shape_cast %swap3A_502 : vector<16xi32> to vector<16xi32>
    %swap3A_504 = vector.shape_cast %add3A_496 : vector<16xi32> to vector<16xi32>
    tpu.vector_store %swap3A_500[%swap3A_501], %swap3A_504 {strides = array<i32>} : memref<64xi32, #tpu.memory_space<vmem>>, vector<16xi32>,
    %get3A_505 = arith.constant 448 : index
    %get3A_506 = tpu.vector_load %arg6[%get3A_505] {strides = array<i32>} : memref<512xi32, #tpu.memory_space<vmem>>, vector<16xi32>,
    %get3A_507 = vector.shape_cast %get3A_506 : vector<16xi32> to vector<16xi32>
    %mul3A_508 = arith.constant 512 : i32
    %mul3A_509 = vector.broadcast %mul3A_508 : i32 to vector<16xi32>
    %mul3A_510 = arith.muli %get3A_507, %mul3A_509 : vector<16xi32>
    %get3A_511 = arith.constant 448 : index
    %get3A_512 = tpu.vector_load %arg7[%get3A_511] {strides = array<i32>} : memref<512xi32, #tpu.memory_space<vmem>>, vector<16xi32>,
    %get3A_513 = vector.shape_cast %get3A_512 : vector<16xi32> to vector<16xi32>
    %add3A_514 = arith.addi %mul3A_510, %get3A_513 : vector<16xi32>
    %swap3A_515 = arith.constant 7 : i32
    %swap3A_516 = arith.constant 0 : i32
    %swap3A_517 = tpu.memref_slice %arg8[%swap3A_515, %swap3A_516] : memref<8x64xi32, #tpu.memory_space<vmem>> -> memref<1x64xi32, #tpu.memory_space<vmem>>
    %swap3A_518 = tpu.memref_squeeze %swap3A_517 : memref<1x64xi32, #tpu.memory_space<vmem>> -> memref<64xi32, #tpu.memory_space<vmem>>
    %swap3A_519 = arith.constant 0 : index
    %swap3A_520 = tpu.vector_load %swap3A_518[%swap3A_519] {strides = array<i32>} : memref<64xi32, #tpu.memory_space<vmem>>, vector<16xi32>,
    %swap3A_521 = vector.shape_cast %swap3A_520 : vector<16xi32> to vector<16xi32>
    %swap3A_522 = vector.shape_cast %add3A_514 : vector<16xi32> to vector<16xi32>
    tpu.vector_store %swap3A_518[%swap3A_519], %swap3A_522 {strides = array<i32>} : memref<64xi32, #tpu.memory_space<vmem>>, vector<16xi32>,
    %get3A_523 = arith.constant 464 : index
    %get3A_524 = tpu.vector_load %arg6[%get3A_523] {strides = array<i32>} : memref<512xi32, #tpu.memory_space<vmem>>, vector<16xi32>,
    %get3A_525 = vector.shape_cast %get3A_524 : vector<16xi32> to vector<16xi32>
    %mul3A_526 = arith.constant 512 : i32
    %mul3A_527 = vector.broadcast %mul3A_526 : i32 to vector<16xi32>
    %mul3A_528 = arith.muli %get3A_525, %mul3A_527 : vector<16xi32>
    %get3A_529 = arith.constant 464 : index
    %get3A_530 = tpu.vector_load %arg7[%get3A_529] {strides = array<i32>} : memref<512xi32, #tpu.memory_space<vmem>>, vector<16xi32>,
    %get3A_531 = vector.shape_cast %get3A_530 : vector<16xi32> to vector<16xi32>
    %add3A_532 = arith.addi %mul3A_528, %get3A_531 : vector<16xi32>
    %swap3A_533 = arith.constant 7 : i32
    %swap3A_534 = arith.constant 0 : i32
    %swap3A_535 = tpu.memref_slice %arg8[%swap3A_533, %swap3A_534] : memref<8x64xi32, #tpu.memory_space<vmem>> -> memref<1x64xi32, #tpu.memory_space<vmem>>
    %swap3A_536 = tpu.memref_squeeze %swap3A_535 : memref<1x64xi32, #tpu.memory_space<vmem>> -> memref<64xi32, #tpu.memory_space<vmem>>
    %swap3A_537 = arith.constant 16 : index
    %swap3A_538 = tpu.vector_load %swap3A_536[%swap3A_537] {strides = array<i32>} : memref<64xi32, #tpu.memory_space<vmem>>, vector<16xi32>,
    %swap3A_539 = vector.shape_cast %swap3A_538 : vector<16xi32> to vector<16xi32>
    %swap3A_540 = vector.shape_cast %add3A_532 : vector<16xi32> to vector<16xi32>
    tpu.vector_store %swap3A_536[%swap3A_537], %swap3A_540 {strides = array<i32>} : memref<64xi32, #tpu.memory_space<vmem>>, vector<16xi32>,
    %get3A_541 = arith.constant 480 : index
    %get3A_542 = tpu.vector_load %arg6[%get3A_541] {strides = array<i32>} : memref<512xi32, #tpu.memory_space<vmem>>, vector<16xi32>,
    %get3A_543 = vector.shape_cast %get3A_542 : vector<16xi32> to vector<16xi32>
    %mul3A_544 = arith.constant 512 : i32
    %mul3A_545 = vector.broadcast %mul3A_544 : i32 to vector<16xi32>
    %mul3A_546 = arith.muli %get3A_543, %mul3A_545 : vector<16xi32>
    %get3A_547 = arith.constant 480 : index
    %get3A_548 = tpu.vector_load %arg7[%get3A_547] {strides = array<i32>} : memref<512xi32, #tpu.memory_space<vmem>>, vector<16xi32>,
    %get3A_549 = vector.shape_cast %get3A_548 : vector<16xi32> to vector<16xi32>
    %add3A_550 = arith.addi %mul3A_546, %get3A_549 : vector<16xi32>
    %swap3A_551 = arith.constant 7 : i32
    %swap3A_552 = arith.constant 0 : i32
    %swap3A_553 = tpu.memref_slice %arg8[%swap3A_551, %swap3A_552] : memref<8x64xi32, #tpu.memory_space<vmem>> -> memref<1x64xi32, #tpu.memory_space<vmem>>
    %swap3A_554 = tpu.memref_squeeze %swap3A_553 : memref<1x64xi32, #tpu.memory_space<vmem>> -> memref<64xi32, #tpu.memory_space<vmem>>
    %swap3A_555 = arith.constant 32 : index
    %swap3A_556 = tpu.vector_load %swap3A_554[%swap3A_555] {strides = array<i32>} : memref<64xi32, #tpu.memory_space<vmem>>, vector<16xi32>,
    %swap3A_557 = vector.shape_cast %swap3A_556 : vector<16xi32> to vector<16xi32>
    %swap3A_558 = vector.shape_cast %add3A_550 : vector<16xi32> to vector<16xi32>
    tpu.vector_store %swap3A_554[%swap3A_555], %swap3A_558 {strides = array<i32>} : memref<64xi32, #tpu.memory_space<vmem>>, vector<16xi32>,
    %get3A_559 = arith.constant 496 : index
    %get3A_560 = tpu.vector_load %arg6[%get3A_559] {strides = array<i32>} : memref<512xi32, #tpu.memory_space<vmem>>, vector<16xi32>,
    %get3A_561 = vector.shape_cast %get3A_560 : vector<16xi32> to vector<16xi32>
    %mul3A_562 = arith.constant 512 : i32
    %mul3A_563 = vector.broadcast %mul3A_562 : i32 to vector<16xi32>
    %mul3A_564 = arith.muli %get3A_561, %mul3A_563 : vector<16xi32>
    %get3A_565 = arith.constant 496 : index
    %get3A_566 = tpu.vector_load %arg7[%get3A_565] {strides = array<i32>} : memref<512xi32, #tpu.memory_space<vmem>>, vector<16xi32>,
    %get3A_567 = vector.shape_cast %get3A_566 : vector<16xi32> to vector<16xi32>
    %add3A_568 = arith.addi %mul3A_564, %get3A_567 : vector<16xi32>
    %swap3A_569 = arith.constant 7 : i32
    %swap3A_570 = arith.constant 0 : i32
    %swap3A_571 = tpu.memref_slice %arg8[%swap3A_569, %swap3A_570] : memref<8x64xi32, #tpu.memory_space<vmem>> -> memref<1x64xi32, #tpu.memory_space<vmem>>
    %swap3A_572 = tpu.memref_squeeze %swap3A_571 : memref<1x64xi32, #tpu.memory_space<vmem>> -> memref<64xi32, #tpu.memory_space<vmem>>
    %swap3A_573 = arith.constant 48 : index
    %swap3A_574 = tpu.vector_load %swap3A_572[%swap3A_573] {strides = array<i32>} : memref<64xi32, #tpu.memory_space<vmem>>, vector<16xi32>,
    %swap3A_575 = vector.shape_cast %swap3A_574 : vector<16xi32> to vector<16xi32>
    %swap3A_576 = vector.shape_cast %add3A_568 : vector<16xi32> to vector<16xi32>
    tpu.vector_store %swap3A_572[%swap3A_573], %swap3A_576 {strides = array<i32>} : memref<64xi32, #tpu.memory_space<vmem>>, vector<16xi32>,
    %dma_start3A = arith.constant 0 : i32
    %dma_start3A_577 = arith.constant 0 : i32
    %dma_start3A_578 = tpu.memref_slice %arg8[%dma_start3A, %dma_start3A_577] : memref<8x64xi32, #tpu.memory_space<vmem>> -> memref<1x64xi32, #tpu.memory_space<vmem>>
    %dma_start3A_579 = tpu.memref_squeeze %dma_start3A_578 : memref<1x64xi32, #tpu.memory_space<vmem>> -> memref<64xi32, #tpu.memory_space<vmem>>
    %dma_start3A_580 = arith.constant 0 : i32
    %dma_start3A_581 = arith.constant 0 : i32
    %dma_start3A_582 = tpu.memref_slice %arg2[%dma_start3A_580, %dma_start3A_581] : memref<262144x256xf32, #tpu.memory_space<hbm>> -> memref<262144x256xf32, #tpu.memory_space<hbm>>
    tpu.enqueue_indirect_dma source(%dma_start3A_582 : memref<262144x256xf32, #tpu.memory_space<hbm>>) target(%arg9 : memref<64x256xf32, #tpu.memory_space<vmem>>) offsets(%dma_start3A_579 : memref<64xi32, #tpu.memory_space<vmem>>) semaphore(%arg15 : memref<!tpu.dma_semaphore, #tpu.memory_space<semaphore_mem>>)
    %dma_start3A_583 = arith.constant 1 : i32
    %dma_start3A_584 = arith.constant 0 : i32
    %dma_start3A_585 = tpu.memref_slice %arg8[%dma_start3A_583, %dma_start3A_584] : memref<8x64xi32, #tpu.memory_space<vmem>> -> memref<1x64xi32, #tpu.memory_space<vmem>>
    %dma_start3A_586 = tpu.memref_squeeze %dma_start3A_585 : memref<1x64xi32, #tpu.memory_space<vmem>> -> memref<64xi32, #tpu.memory_space<vmem>>
    %dma_start3A_587 = arith.constant 0 : i32
    %dma_start3A_588 = arith.constant 0 : i32
    %dma_start3A_589 = tpu.memref_slice %arg2[%dma_start3A_587, %dma_start3A_588] : memref<262144x256xf32, #tpu.memory_space<hbm>> -> memref<262144x256xf32, #tpu.memory_space<hbm>>
    tpu.enqueue_indirect_dma source(%dma_start3A_589 : memref<262144x256xf32, #tpu.memory_space<hbm>>) target(%arg10 : memref<64x256xf32, #tpu.memory_space<vmem>>) offsets(%dma_start3A_586 : memref<64xi32, #tpu.memory_space<vmem>>) semaphore(%arg16 : memref<!tpu.dma_semaphore, #tpu.memory_space<semaphore_mem>>)
    %dma_start3A_590 = arith.constant 2 : i32
    %dma_start3A_591 = arith.constant 0 : i32
    %dma_start3A_592 = tpu.memref_slice %arg8[%dma_start3A_590, %dma_start3A_591] : memref<8x64xi32, #tpu.memory_space<vmem>> -> memref<1x64xi32, #tpu.memory_space<vmem>>
    %dma_start3A_593 = tpu.memref_squeeze %dma_start3A_592 : memref<1x64xi32, #tpu.memory_space<vmem>> -> memref<64xi32, #tpu.memory_space<vmem>>
    %dma_start3A_594 = arith.constant 0 : i32
    %dma_start3A_595 = arith.constant 0 : i32
    %dma_start3A_596 = tpu.memref_slice %arg2[%dma_start3A_594, %dma_start3A_595] : memref<262144x256xf32, #tpu.memory_space<hbm>> -> memref<262144x256xf32, #tpu.memory_space<hbm>>
    tpu.enqueue_indirect_dma source(%dma_start3A_596 : memref<262144x256xf32, #tpu.memory_space<hbm>>) target(%arg11 : memref<64x256xf32, #tpu.memory_space<vmem>>) offsets(%dma_start3A_593 : memref<64xi32, #tpu.memory_space<vmem>>) semaphore(%arg17 : memref<!tpu.dma_semaphore, #tpu.memory_space<semaphore_mem>>)
    %dma_start3A_597 = arith.constant 3 : i32
    %dma_start3A_598 = arith.constant 0 : i32
    %dma_start3A_599 = tpu.memref_slice %arg8[%dma_start3A_597, %dma_start3A_598] : memref<8x64xi32, #tpu.memory_space<vmem>> -> memref<1x64xi32, #tpu.memory_space<vmem>>
    %dma_start3A_600 = tpu.memref_squeeze %dma_start3A_599 : memref<1x64xi32, #tpu.memory_space<vmem>> -> memref<64xi32, #tpu.memory_space<vmem>>
    %dma_start3A_601 = arith.constant 0 : i32
    %dma_start3A_602 = arith.constant 0 : i32
    %dma_start3A_603 = tpu.memref_slice %arg2[%dma_start3A_601, %dma_start3A_602] : memref<262144x256xf32, #tpu.memory_space<hbm>> -> memref<262144x256xf32, #tpu.memory_space<hbm>>
    tpu.enqueue_indirect_dma source(%dma_start3A_603 : memref<262144x256xf32, #tpu.memory_space<hbm>>) target(%arg12 : memref<64x256xf32, #tpu.memory_space<vmem>>) offsets(%dma_start3A_600 : memref<64xi32, #tpu.memory_space<vmem>>) semaphore(%arg18 : memref<!tpu.dma_semaphore, #tpu.memory_space<semaphore_mem>>)
    %dma_start3A_604 = arith.constant 4 : i32
    %dma_start3A_605 = arith.constant 0 : i32
    %dma_start3A_606 = tpu.memref_slice %arg8[%dma_start3A_604, %dma_start3A_605] : memref<8x64xi32, #tpu.memory_space<vmem>> -> memref<1x64xi32, #tpu.memory_space<vmem>>
    %dma_start3A_607 = tpu.memref_squeeze %dma_start3A_606 : memref<1x64xi32, #tpu.memory_space<vmem>> -> memref<64xi32, #tpu.memory_space<vmem>>
    %dma_start3A_608 = arith.constant 0 : i32
    %dma_start3A_609 = arith.constant 0 : i32
    %dma_start3A_610 = tpu.memref_slice %arg2[%dma_start3A_608, %dma_start3A_609] : memref<262144x256xf32, #tpu.memory_space<hbm>> -> memref<262144x256xf32, #tpu.memory_space<hbm>>
    tpu.enqueue_indirect_dma source(%dma_start3A_610 : memref<262144x256xf32, #tpu.memory_space<hbm>>) target(%arg13 : memref<64x256xf32, #tpu.memory_space<vmem>>) offsets(%dma_start3A_607 : memref<64xi32, #tpu.memory_space<vmem>>) semaphore(%arg19 : memref<!tpu.dma_semaphore, #tpu.memory_space<semaphore_mem>>)
    %dma_start3A_611 = arith.constant 5 : i32
    %dma_start3A_612 = arith.constant 0 : i32
    %dma_start3A_613 = tpu.memref_slice %arg8[%dma_start3A_611, %dma_start3A_612] : memref<8x64xi32, #tpu.memory_space<vmem>> -> memref<1x64xi32, #tpu.memory_space<vmem>>
    %dma_start3A_614 = tpu.memref_squeeze %dma_start3A_613 : memref<1x64xi32, #tpu.memory_space<vmem>> -> memref<64xi32, #tpu.memory_space<vmem>>
    %dma_start3A_615 = arith.constant 0 : i32
    %dma_start3A_616 = arith.constant 0 : i32
    %dma_start3A_617 = tpu.memref_slice %arg2[%dma_start3A_615, %dma_start3A_616] : memref<262144x256xf32, #tpu.memory_space<hbm>> -> memref<262144x256xf32, #tpu.memory_space<hbm>>
    tpu.enqueue_indirect_dma source(%dma_start3A_617 : memref<262144x256xf32, #tpu.memory_space<hbm>>) target(%arg14 : memref<64x256xf32, #tpu.memory_space<vmem>>) offsets(%dma_start3A_614 : memref<64xi32, #tpu.memory_space<vmem>>) semaphore(%arg20 : memref<!tpu.dma_semaphore, #tpu.memory_space<semaphore_mem>>)
    %dma_wait3A = arith.constant 0 : i32
    %dma_wait3A_618 = arith.constant 0 : i32
    %dma_wait3A_619 = tpu.memref_slice %arg8[%dma_wait3A, %dma_wait3A_618] : memref<8x64xi32, #tpu.memory_space<vmem>> -> memref<1x64xi32, #tpu.memory_space<vmem>>
    %dma_wait3A_620 = tpu.memref_squeeze %dma_wait3A_619 : memref<1x64xi32, #tpu.memory_space<vmem>> -> memref<64xi32, #tpu.memory_space<vmem>>
    %dma_wait3A_621 = arith.constant 0 : i32
    %dma_wait3A_622 = arith.constant 0 : i32
    %dma_wait3A_623 = tpu.memref_slice %arg2[%dma_wait3A_621, %dma_wait3A_622] : memref<262144x256xf32, #tpu.memory_space<hbm>> -> memref<262144x256xf32, #tpu.memory_space<hbm>>
    tpu.wait_indirect_dma semaphore(%arg15 : memref<!tpu.dma_semaphore, #tpu.memory_space<semaphore_mem>>) src(%dma_wait3A_623 : memref<262144x256xf32, #tpu.memory_space<hbm>>) dst(%arg9 : memref<64x256xf32, #tpu.memory_space<vmem>>)
    %add3A_624 = arith.constant 0 : i32
    %add3A_625 = arith.addi %mul3A_2, %add3A_624 : i32
    %dma_start3A_626 = arith.constant 0 : i32
    %dma_start3A_627 = tpu.memref_slice %arg5[%add3A_625, %dma_start3A_626] : memref<16384x256xf32, #tpu.memory_space<hbm>> -> memref<64x256xf32, #tpu.memory_space<hbm>>
    %dma_start3A_628 = arith.constant 0 : i32
    %dma_start3A_629 = tpu.memref_slice %arg5[%add3A_625, %dma_start3A_628] : memref<16384x256xf32, #tpu.memory_space<hbm>> -> memref<64x256xf32, #tpu.memory_space<hbm>>
    tpu.enqueue_dma source(%arg9 : memref<64x256xf32, #tpu.memory_space<vmem>>) target(%dma_start3A_629 : memref<64x256xf32, #tpu.memory_space<hbm>>) target_semaphore(%arg21 : memref<!tpu.dma_semaphore, #tpu.memory_space<semaphore_mem>>)
    %dma_wait3A_630 = arith.constant 0 : i32
    %dma_wait3A_631 = tpu.memref_slice %arg5[%add3A_625, %dma_wait3A_630] : memref<16384x256xf32, #tpu.memory_space<hbm>> -> memref<64x256xf32, #tpu.memory_space<hbm>>
    %dma_wait3A_632 = arith.constant 0 : i32
    %dma_wait3A_633 = tpu.memref_slice %arg5[%add3A_625, %dma_wait3A_632] : memref<16384x256xf32, #tpu.memory_space<hbm>> -> memref<64x256xf32, #tpu.memory_space<hbm>>
    tpu.wait_dma2 semaphore(%arg21 : memref<!tpu.dma_semaphore, #tpu.memory_space<semaphore_mem>>) src(%arg9 : memref<64x256xf32, #tpu.memory_space<vmem>>) dst(%dma_wait3A_633 : memref<64x256xf32, #tpu.memory_space<hbm>>)
    %dma_start3A_634 = arith.constant 6 : i32
    %dma_start3A_635 = arith.constant 0 : i32
    %dma_start3A_636 = tpu.memref_slice %arg8[%dma_start3A_634, %dma_start3A_635] : memref<8x64xi32, #tpu.memory_space<vmem>> -> memref<1x64xi32, #tpu.memory_space<vmem>>
    %dma_start3A_637 = tpu.memref_squeeze %dma_start3A_636 : memref<1x64xi32, #tpu.memory_space<vmem>> -> memref<64xi32, #tpu.memory_space<vmem>>
    %dma_start3A_638 = arith.constant 0 : i32
    %dma_start3A_639 = arith.constant 0 : i32
    %dma_start3A_640 = tpu.memref_slice %arg2[%dma_start3A_638, %dma_start3A_639] : memref<262144x256xf32, #tpu.memory_space<hbm>> -> memref<262144x256xf32, #tpu.memory_space<hbm>>
    tpu.enqueue_indirect_dma source(%dma_start3A_640 : memref<262144x256xf32, #tpu.memory_space<hbm>>) target(%arg9 : memref<64x256xf32, #tpu.memory_space<vmem>>) offsets(%dma_start3A_637 : memref<64xi32, #tpu.memory_space<vmem>>) semaphore(%arg15 : memref<!tpu.dma_semaphore, #tpu.memory_space<semaphore_mem>>)
    %dma_wait3A_641 = arith.constant 1 : i32
    %dma_wait3A_642 = arith.constant 0 : i32
    %dma_wait3A_643 = tpu.memref_slice %arg8[%dma_wait3A_641, %dma_wait3A_642] : memref<8x64xi32, #tpu.memory_space<vmem>> -> memref<1x64xi32, #tpu.memory_space<vmem>>
    %dma_wait3A_644 = tpu.memref_squeeze %dma_wait3A_643 : memref<1x64xi32, #tpu.memory_space<vmem>> -> memref<64xi32, #tpu.memory_space<vmem>>
    %dma_wait3A_645 = arith.constant 0 : i32
    %dma_wait3A_646 = arith.constant 0 : i32
    %dma_wait3A_647 = tpu.memref_slice %arg2[%dma_wait3A_645, %dma_wait3A_646] : memref<262144x256xf32, #tpu.memory_space<hbm>> -> memref<262144x256xf32, #tpu.memory_space<hbm>>
    tpu.wait_indirect_dma semaphore(%arg16 : memref<!tpu.dma_semaphore, #tpu.memory_space<semaphore_mem>>) src(%dma_wait3A_647 : memref<262144x256xf32, #tpu.memory_space<hbm>>) dst(%arg10 : memref<64x256xf32, #tpu.memory_space<vmem>>)
    %add3A_648 = arith.constant 64 : i32
    %add3A_649 = arith.addi %mul3A_2, %add3A_648 : i32
    %dma_start3A_650 = arith.constant 0 : i32
    %dma_start3A_651 = tpu.memref_slice %arg5[%add3A_649, %dma_start3A_650] : memref<16384x256xf32, #tpu.memory_space<hbm>> -> memref<64x256xf32, #tpu.memory_space<hbm>>
    %dma_start3A_652 = arith.constant 0 : i32
    %dma_start3A_653 = tpu.memref_slice %arg5[%add3A_649, %dma_start3A_652] : memref<16384x256xf32, #tpu.memory_space<hbm>> -> memref<64x256xf32, #tpu.memory_space<hbm>>
    tpu.enqueue_dma source(%arg10 : memref<64x256xf32, #tpu.memory_space<vmem>>) target(%dma_start3A_653 : memref<64x256xf32, #tpu.memory_space<hbm>>) target_semaphore(%arg22 : memref<!tpu.dma_semaphore, #tpu.memory_space<semaphore_mem>>)
    %dma_wait3A_654 = arith.constant 0 : i32
    %dma_wait3A_655 = tpu.memref_slice %arg5[%add3A_649, %dma_wait3A_654] : memref<16384x256xf32, #tpu.memory_space<hbm>> -> memref<64x256xf32, #tpu.memory_space<hbm>>
    %dma_wait3A_656 = arith.constant 0 : i32
    %dma_wait3A_657 = tpu.memref_slice %arg5[%add3A_649, %dma_wait3A_656] : memref<16384x256xf32, #tpu.memory_space<hbm>> -> memref<64x256xf32, #tpu.memory_space<hbm>>
    tpu.wait_dma2 semaphore(%arg22 : memref<!tpu.dma_semaphore, #tpu.memory_space<semaphore_mem>>) src(%arg10 : memref<64x256xf32, #tpu.memory_space<vmem>>) dst(%dma_wait3A_657 : memref<64x256xf32, #tpu.memory_space<hbm>>)
    %dma_start3A_658 = arith.constant 7 : i32
    %dma_start3A_659 = arith.constant 0 : i32
    %dma_start3A_660 = tpu.memref_slice %arg8[%dma_start3A_658, %dma_start3A_659] : memref<8x64xi32, #tpu.memory_space<vmem>> -> memref<1x64xi32, #tpu.memory_space<vmem>>
    %dma_start3A_661 = tpu.memref_squeeze %dma_start3A_660 : memref<1x64xi32, #tpu.memory_space<vmem>> -> memref<64xi32, #tpu.memory_space<vmem>>
    %dma_start3A_662 = arith.constant 0 : i32
    %dma_start3A_663 = arith.constant 0 : i32
    %dma_start3A_664 = tpu.memref_slice %arg2[%dma_start3A_662, %dma_start3A_663] : memref<262144x256xf32, #tpu.memory_space<hbm>> -> memref<262144x256xf32, #tpu.memory_space<hbm>>
    tpu.enqueue_indirect_dma source(%dma_start3A_664 : memref<262144x256xf32, #tpu.memory_space<hbm>>) target(%arg10 : memref<64x256xf32, #tpu.memory_space<vmem>>) offsets(%dma_start3A_661 : memref<64xi32, #tpu.memory_space<vmem>>) semaphore(%arg16 : memref<!tpu.dma_semaphore, #tpu.memory_space<semaphore_mem>>)
    %dma_wait3A_665 = arith.constant 2 : i32
    %dma_wait3A_666 = arith.constant 0 : i32
    %dma_wait3A_667 = tpu.memref_slice %arg8[%dma_wait3A_665, %dma_wait3A_666] : memref<8x64xi32, #tpu.memory_space<vmem>> -> memref<1x64xi32, #tpu.memory_space<vmem>>
    %dma_wait3A_668 = tpu.memref_squeeze %dma_wait3A_667 : memref<1x64xi32, #tpu.memory_space<vmem>> -> memref<64xi32, #tpu.memory_space<vmem>>
    %dma_wait3A_669 = arith.constant 0 : i32
    %dma_wait3A_670 = arith.constant 0 : i32
    %dma_wait3A_671 = tpu.memref_slice %arg2[%dma_wait3A_669, %dma_wait3A_670] : memref<262144x256xf32, #tpu.memory_space<hbm>> -> memref<262144x256xf32, #tpu.memory_space<hbm>>
    tpu.wait_indirect_dma semaphore(%arg17 : memref<!tpu.dma_semaphore, #tpu.memory_space<semaphore_mem>>) src(%dma_wait3A_671 : memref<262144x256xf32, #tpu.memory_space<hbm>>) dst(%arg11 : memref<64x256xf32, #tpu.memory_space<vmem>>)
    %add3A_672 = arith.constant 128 : i32
    %add3A_673 = arith.addi %mul3A_2, %add3A_672 : i32
    %dma_start3A_674 = arith.constant 0 : i32
    %dma_start3A_675 = tpu.memref_slice %arg5[%add3A_673, %dma_start3A_674] : memref<16384x256xf32, #tpu.memory_space<hbm>> -> memref<64x256xf32, #tpu.memory_space<hbm>>
    %dma_start3A_676 = arith.constant 0 : i32
    %dma_start3A_677 = tpu.memref_slice %arg5[%add3A_673, %dma_start3A_676] : memref<16384x256xf32, #tpu.memory_space<hbm>> -> memref<64x256xf32, #tpu.memory_space<hbm>>
    tpu.enqueue_dma source(%arg11 : memref<64x256xf32, #tpu.memory_space<vmem>>) target(%dma_start3A_677 : memref<64x256xf32, #tpu.memory_space<hbm>>) target_semaphore(%arg23 : memref<!tpu.dma_semaphore, #tpu.memory_space<semaphore_mem>>)
    %dma_wait3A_678 = arith.constant 3 : i32
    %dma_wait3A_679 = arith.constant 0 : i32
    %dma_wait3A_680 = tpu.memref_slice %arg8[%dma_wait3A_678, %dma_wait3A_679] : memref<8x64xi32, #tpu.memory_space<vmem>> -> memref<1x64xi32, #tpu.memory_space<vmem>>
    %dma_wait3A_681 = tpu.memref_squeeze %dma_wait3A_680 : memref<1x64xi32, #tpu.memory_space<vmem>> -> memref<64xi32, #tpu.memory_space<vmem>>
    %dma_wait3A_682 = arith.constant 0 : i32
    %dma_wait3A_683 = arith.constant 0 : i32
    %dma_wait3A_684 = tpu.memref_slice %arg2[%dma_wait3A_682, %dma_wait3A_683] : memref<262144x256xf32, #tpu.memory_space<hbm>> -> memref<262144x256xf32, #tpu.memory_space<hbm>>
    tpu.wait_indirect_dma semaphore(%arg18 : memref<!tpu.dma_semaphore, #tpu.memory_space<semaphore_mem>>) src(%dma_wait3A_684 : memref<262144x256xf32, #tpu.memory_space<hbm>>) dst(%arg12 : memref<64x256xf32, #tpu.memory_space<vmem>>)
    %add3A_685 = arith.constant 192 : i32
    %add3A_686 = arith.addi %mul3A_2, %add3A_685 : i32
    %dma_start3A_687 = arith.constant 0 : i32
    %dma_start3A_688 = tpu.memref_slice %arg5[%add3A_686, %dma_start3A_687] : memref<16384x256xf32, #tpu.memory_space<hbm>> -> memref<64x256xf32, #tpu.memory_space<hbm>>
    %dma_start3A_689 = arith.constant 0 : i32
    %dma_start3A_690 = tpu.memref_slice %arg5[%add3A_686, %dma_start3A_689] : memref<16384x256xf32, #tpu.memory_space<hbm>> -> memref<64x256xf32, #tpu.memory_space<hbm>>
    tpu.enqueue_dma source(%arg12 : memref<64x256xf32, #tpu.memory_space<vmem>>) target(%dma_start3A_690 : memref<64x256xf32, #tpu.memory_space<hbm>>) target_semaphore(%arg24 : memref<!tpu.dma_semaphore, #tpu.memory_space<semaphore_mem>>)
    %dma_wait3A_691 = arith.constant 4 : i32
    %dma_wait3A_692 = arith.constant 0 : i32
    %dma_wait3A_693 = tpu.memref_slice %arg8[%dma_wait3A_691, %dma_wait3A_692] : memref<8x64xi32, #tpu.memory_space<vmem>> -> memref<1x64xi32, #tpu.memory_space<vmem>>
    %dma_wait3A_694 = tpu.memref_squeeze %dma_wait3A_693 : memref<1x64xi32, #tpu.memory_space<vmem>> -> memref<64xi32, #tpu.memory_space<vmem>>
    %dma_wait3A_695 = arith.constant 0 : i32
    %dma_wait3A_696 = arith.constant 0 : i32
    %dma_wait3A_697 = tpu.memref_slice %arg2[%dma_wait3A_695, %dma_wait3A_696] : memref<262144x256xf32, #tpu.memory_space<hbm>> -> memref<262144x256xf32, #tpu.memory_space<hbm>>
    tpu.wait_indirect_dma semaphore(%arg19 : memref<!tpu.dma_semaphore, #tpu.memory_space<semaphore_mem>>) src(%dma_wait3A_697 : memref<262144x256xf32, #tpu.memory_space<hbm>>) dst(%arg13 : memref<64x256xf32, #tpu.memory_space<vmem>>)
    %add3A_698 = arith.constant 256 : i32
    %add3A_699 = arith.addi %mul3A_2, %add3A_698 : i32
    %dma_start3A_700 = arith.constant 0 : i32
    %dma_start3A_701 = tpu.memref_slice %arg5[%add3A_699, %dma_start3A_700] : memref<16384x256xf32, #tpu.memory_space<hbm>> -> memref<64x256xf32, #tpu.memory_space<hbm>>
    %dma_start3A_702 = arith.constant 0 : i32
    %dma_start3A_703 = tpu.memref_slice %arg5[%add3A_699, %dma_start3A_702] : memref<16384x256xf32, #tpu.memory_space<hbm>> -> memref<64x256xf32, #tpu.memory_space<hbm>>
    tpu.enqueue_dma source(%arg13 : memref<64x256xf32, #tpu.memory_space<vmem>>) target(%dma_start3A_703 : memref<64x256xf32, #tpu.memory_space<hbm>>) target_semaphore(%arg25 : memref<!tpu.dma_semaphore, #tpu.memory_space<semaphore_mem>>)
    %dma_wait3A_704 = arith.constant 5 : i32
    %dma_wait3A_705 = arith.constant 0 : i32
    %dma_wait3A_706 = tpu.memref_slice %arg8[%dma_wait3A_704, %dma_wait3A_705] : memref<8x64xi32, #tpu.memory_space<vmem>> -> memref<1x64xi32, #tpu.memory_space<vmem>>
    %dma_wait3A_707 = tpu.memref_squeeze %dma_wait3A_706 : memref<1x64xi32, #tpu.memory_space<vmem>> -> memref<64xi32, #tpu.memory_space<vmem>>
    %dma_wait3A_708 = arith.constant 0 : i32
    %dma_wait3A_709 = arith.constant 0 : i32
    %dma_wait3A_710 = tpu.memref_slice %arg2[%dma_wait3A_708, %dma_wait3A_709] : memref<262144x256xf32, #tpu.memory_space<hbm>> -> memref<262144x256xf32, #tpu.memory_space<hbm>>
    tpu.wait_indirect_dma semaphore(%arg20 : memref<!tpu.dma_semaphore, #tpu.memory_space<semaphore_mem>>) src(%dma_wait3A_710 : memref<262144x256xf32, #tpu.memory_space<hbm>>) dst(%arg14 : memref<64x256xf32, #tpu.memory_space<vmem>>)
    %add3A_711 = arith.constant 320 : i32
    %add3A_712 = arith.addi %mul3A_2, %add3A_711 : i32
    %dma_start3A_713 = arith.constant 0 : i32
    %dma_start3A_714 = tpu.memref_slice %arg5[%add3A_712, %dma_start3A_713] : memref<16384x256xf32, #tpu.memory_space<hbm>> -> memref<64x256xf32, #tpu.memory_space<hbm>>
    %dma_start3A_715 = arith.constant 0 : i32
    %dma_start3A_716 = tpu.memref_slice %arg5[%add3A_712, %dma_start3A_715] : memref<16384x256xf32, #tpu.memory_space<hbm>> -> memref<64x256xf32, #tpu.memory_space<hbm>>
    tpu.enqueue_dma source(%arg14 : memref<64x256xf32, #tpu.memory_space<vmem>>) target(%dma_start3A_716 : memref<64x256xf32, #tpu.memory_space<hbm>>) target_semaphore(%arg26 : memref<!tpu.dma_semaphore, #tpu.memory_space<semaphore_mem>>)
    %dma_wait3A_717 = arith.constant 6 : i32
    %dma_wait3A_718 = arith.constant 0 : i32
    %dma_wait3A_719 = tpu.memref_slice %arg8[%dma_wait3A_717, %dma_wait3A_718] : memref<8x64xi32, #tpu.memory_space<vmem>> -> memref<1x64xi32, #tpu.memory_space<vmem>>
    %dma_wait3A_720 = tpu.memref_squeeze %dma_wait3A_719 : memref<1x64xi32, #tpu.memory_space<vmem>> -> memref<64xi32, #tpu.memory_space<vmem>>
    %dma_wait3A_721 = arith.constant 0 : i32
    %dma_wait3A_722 = arith.constant 0 : i32
    %dma_wait3A_723 = tpu.memref_slice %arg2[%dma_wait3A_721, %dma_wait3A_722] : memref<262144x256xf32, #tpu.memory_space<hbm>> -> memref<262144x256xf32, #tpu.memory_space<hbm>>
    tpu.wait_indirect_dma semaphore(%arg15 : memref<!tpu.dma_semaphore, #tpu.memory_space<semaphore_mem>>) src(%dma_wait3A_723 : memref<262144x256xf32, #tpu.memory_space<hbm>>) dst(%arg9 : memref<64x256xf32, #tpu.memory_space<vmem>>)
    %add3A_724 = arith.constant 384 : i32
    %add3A_725 = arith.addi %mul3A_2, %add3A_724 : i32
    %dma_start3A_726 = arith.constant 0 : i32
    %dma_start3A_727 = tpu.memref_slice %arg5[%add3A_725, %dma_start3A_726] : memref<16384x256xf32, #tpu.memory_space<hbm>> -> memref<64x256xf32, #tpu.memory_space<hbm>>
    %dma_start3A_728 = arith.constant 0 : i32
    %dma_start3A_729 = tpu.memref_slice %arg5[%add3A_725, %dma_start3A_728] : memref<16384x256xf32, #tpu.memory_space<hbm>> -> memref<64x256xf32, #tpu.memory_space<hbm>>
    tpu.enqueue_dma source(%arg9 : memref<64x256xf32, #tpu.memory_space<vmem>>) target(%dma_start3A_729 : memref<64x256xf32, #tpu.memory_space<hbm>>) target_semaphore(%arg21 : memref<!tpu.dma_semaphore, #tpu.memory_space<semaphore_mem>>)
    %dma_wait3A_730 = arith.constant 7 : i32
    %dma_wait3A_731 = arith.constant 0 : i32
    %dma_wait3A_732 = tpu.memref_slice %arg8[%dma_wait3A_730, %dma_wait3A_731] : memref<8x64xi32, #tpu.memory_space<vmem>> -> memref<1x64xi32, #tpu.memory_space<vmem>>
    %dma_wait3A_733 = tpu.memref_squeeze %dma_wait3A_732 : memref<1x64xi32, #tpu.memory_space<vmem>> -> memref<64xi32, #tpu.memory_space<vmem>>
    %dma_wait3A_734 = arith.constant 0 : i32
    %dma_wait3A_735 = arith.constant 0 : i32
    %dma_wait3A_736 = tpu.memref_slice %arg2[%dma_wait3A_734, %dma_wait3A_735] : memref<262144x256xf32, #tpu.memory_space<hbm>> -> memref<262144x256xf32, #tpu.memory_space<hbm>>
    tpu.wait_indirect_dma semaphore(%arg16 : memref<!tpu.dma_semaphore, #tpu.memory_space<semaphore_mem>>) src(%dma_wait3A_736 : memref<262144x256xf32, #tpu.memory_space<hbm>>) dst(%arg10 : memref<64x256xf32, #tpu.memory_space<vmem>>)
    %add3A_737 = arith.constant 448 : i32
    %add3A_738 = arith.addi %mul3A_2, %add3A_737 : i32
    %dma_start3A_739 = arith.constant 0 : i32
    %dma_start3A_740 = tpu.memref_slice %arg5[%add3A_738, %dma_start3A_739] : memref<16384x256xf32, #tpu.memory_space<hbm>> -> memref<64x256xf32, #tpu.memory_space<hbm>>
    %dma_start3A_741 = arith.constant 0 : i32
    %dma_start3A_742 = tpu.memref_slice %arg5[%add3A_738, %dma_start3A_741] : memref<16384x256xf32, #tpu.memory_space<hbm>> -> memref<64x256xf32, #tpu.memory_space<hbm>>
    tpu.enqueue_dma source(%arg10 : memref<64x256xf32, #tpu.memory_space<vmem>>) target(%dma_start3A_742 : memref<64x256xf32, #tpu.memory_space<hbm>>) target_semaphore(%arg22 : memref<!tpu.dma_semaphore, #tpu.memory_space<semaphore_mem>>)
    %dma_wait3A_743 = arith.constant 0 : i32
    %dma_wait3A_744 = tpu.memref_slice %arg5[%add3A_673, %dma_wait3A_743] : memref<16384x256xf32, #tpu.memory_space<hbm>> -> memref<64x256xf32, #tpu.memory_space<hbm>>
    %dma_wait3A_745 = arith.constant 0 : i32
    %dma_wait3A_746 = tpu.memref_slice %arg5[%add3A_673, %dma_wait3A_745] : memref<16384x256xf32, #tpu.memory_space<hbm>> -> memref<64x256xf32, #tpu.memory_space<hbm>>
    tpu.wait_dma2 semaphore(%arg23 : memref<!tpu.dma_semaphore, #tpu.memory_space<semaphore_mem>>) src(%arg11 : memref<64x256xf32, #tpu.memory_space<vmem>>) dst(%dma_wait3A_746 : memref<64x256xf32, #tpu.memory_space<hbm>>)
    %dma_wait3A_747 = arith.constant 0 : i32
    %dma_wait3A_748 = tpu.memref_slice %arg5[%add3A_686, %dma_wait3A_747] : memref<16384x256xf32, #tpu.memory_space<hbm>> -> memref<64x256xf32, #tpu.memory_space<hbm>>
    %dma_wait3A_749 = arith.constant 0 : i32
    %dma_wait3A_750 = tpu.memref_slice %arg5[%add3A_686, %dma_wait3A_749] : memref<16384x256xf32, #tpu.memory_space<hbm>> -> memref<64x256xf32, #tpu.memory_space<hbm>>
    tpu.wait_dma2 semaphore(%arg24 : memref<!tpu.dma_semaphore, #tpu.memory_space<semaphore_mem>>) src(%arg12 : memref<64x256xf32, #tpu.memory_space<vmem>>) dst(%dma_wait3A_750 : memref<64x256xf32, #tpu.memory_space<hbm>>)
    %dma_wait3A_751 = arith.constant 0 : i32
    %dma_wait3A_752 = tpu.memref_slice %arg5[%add3A_699, %dma_wait3A_751] : memref<16384x256xf32, #tpu.memory_space<hbm>> -> memref<64x256xf32, #tpu.memory_space<hbm>>
    %dma_wait3A_753 = arith.constant 0 : i32
    %dma_wait3A_754 = tpu.memref_slice %arg5[%add3A_699, %dma_wait3A_753] : memref<16384x256xf32, #tpu.memory_space<hbm>> -> memref<64x256xf32, #tpu.memory_space<hbm>>
    tpu.wait_dma2 semaphore(%arg25 : memref<!tpu.dma_semaphore, #tpu.memory_space<semaphore_mem>>) src(%arg13 : memref<64x256xf32, #tpu.memory_space<vmem>>) dst(%dma_wait3A_754 : memref<64x256xf32, #tpu.memory_space<hbm>>)
    %dma_wait3A_755 = arith.constant 0 : i32
    %dma_wait3A_756 = tpu.memref_slice %arg5[%add3A_712, %dma_wait3A_755] : memref<16384x256xf32, #tpu.memory_space<hbm>> -> memref<64x256xf32, #tpu.memory_space<hbm>>
    %dma_wait3A_757 = arith.constant 0 : i32
    %dma_wait3A_758 = tpu.memref_slice %arg5[%add3A_712, %dma_wait3A_757] : memref<16384x256xf32, #tpu.memory_space<hbm>> -> memref<64x256xf32, #tpu.memory_space<hbm>>
    tpu.wait_dma2 semaphore(%arg26 : memref<!tpu.dma_semaphore, #tpu.memory_space<semaphore_mem>>) src(%arg14 : memref<64x256xf32, #tpu.memory_space<vmem>>) dst(%dma_wait3A_758 : memref<64x256xf32, #tpu.memory_space<hbm>>)
    %dma_wait3A_759 = arith.constant 0 : i32
    %dma_wait3A_760 = tpu.memref_slice %arg5[%add3A_725, %dma_wait3A_759] : memref<16384x256xf32, #tpu.memory_space<hbm>> -> memref<64x256xf32, #tpu.memory_space<hbm>>
    %dma_wait3A_761 = arith.constant 0 : i32
    %dma_wait3A_762 = tpu.memref_slice %arg5[%add3A_725, %dma_wait3A_761] : memref<16384x256xf32, #tpu.memory_space<hbm>> -> memref<64x256xf32, #tpu.memory_space<hbm>>
    tpu.wait_dma2 semaphore(%arg21 : memref<!tpu.dma_semaphore, #tpu.memory_space<semaphore_mem>>) src(%arg9 : memref<64x256xf32, #tpu.memory_space<vmem>>) dst(%dma_wait3A_762 : memref<64x256xf32, #tpu.memory_space<hbm>>)
    %dma_wait3A_763 = arith.constant 0 : i32
    %dma_wait3A_764 = tpu.memref_slice %arg5[%add3A_738, %dma_wait3A_763] : memref<16384x256xf32, #tpu.memory_space<hbm>> -> memref<64x256xf32, #tpu.memory_space<hbm>>
    %dma_wait3A_765 = arith.constant 0 : i32
    %dma_wait3A_766 = tpu.memref_slice %arg5[%add3A_738, %dma_wait3A_765] : memref<16384x256xf32, #tpu.memory_space<hbm>> -> memref<64x256xf32, #tpu.memory_space<hbm>>
    tpu.wait_dma2 semaphore(%arg22 : memref<!tpu.dma_semaphore, #tpu.memory_space<semaphore_mem>>) src(%arg10 : memref<64x256xf32, #tpu.memory_space<vmem>>) dst(%dma_wait3A_766 : memref<64x256xf32, #tpu.memory_space<hbm>>)
    return
  }
}

</mosaic_0001>

<sc_bundles>
// kernel: kernel.3.cloned.1.call-start
scs
__scs_entry_jumppad:
0x0: {  	(pc) =	sbr.rel $0x88, $3  }
0x1: {  	(tag) =	ssettag $0x0;
	lr =	simm.s32 $0x1  }
0x2: {  	[smem:$0x3F9F] =	sst lr;
	_ =	strace $0xD0000000  }
0x3: {  	_ = 	snop  }
0x4: {  	_ = 	snop  }
0x5: {  	_ = 	snop  }
0x6: {  	_ = 	snop  }
0x7: {  	_ = 	snop  }
__scs_overlays_trampoline_lowered:
0x8: {  	[smem:$0x3FAE] =	sst s0  }
0x9: {  	[smem:$0x3FAF] =	sst s1  }
0xa: {  	[smem:$0x3FB0] =	sst s2  }
0xb: {  	[smem:$0x3FB1] =	sst s3  }
0xc: {  	[smem:$0x3FB2] =	sst s4  }
0xd: {  	[smem:$0x3FB3] =	sst s5  }
0xe: {  	[smem:$0x3FB4] =	sst s6  }
0xf: {  	[smem:$0x3FB5] =	sst s7  }
0x10: {  	[smem:$0x3FB6] =	sst s8  }
0x11: {  	[smem:$0x3FB7] =	sst s9;
	s0 =	simm.s32 @!p0 $0x0  }
0x12: {  	s1 =	sld [smem:$0x3F9D];
	s0 =	simm.s32 @p0 $0x1  }
0x13: {  	[smem:$0x3FB8] =	sst s0;
	s0 =	simm.s32 @!p1 $0x0  }
0x14: {  	s2 =	sld [smem:$0x3F9C];
	s0 =	simm.s32 @p1 $0x1  }
0x15: {  	[smem:$0x3FB9] =	sst s0;
	s0 =	simm.s32 @!p2 $0x0  }
0x16: {  	s3 =	sld [smem:$0x3FDB];
	s0 =	simm.s32 @p2 $0x1  }
0x17: {  	s4 =	simm.s32 $0x1BF5;
	[smem:$0x3FBB] =	sst s0  }
0x18: {  	s0 =	sld [smem:$0x3F9E];
	_ =	swait.ge [sflag:s4], $0x0  }
0x19: {  	s7 =	sld [smem:$0x3F9F]  }
0x1a: {  	s8 =	sadd.s32 $0xFFFFE003, lr  }
0x1b: {  	s9 =	sadd.s32 $0xFFFFFEF7, lr;
	s5 =	simm.s32 $0xFFFFFFFF;
	p2 =	slt.u32 s8, $0xFFFFF086  }
0x1c: {  	p1 =	slt.u32 s9, $0xF7A;
	s5 =	simm.s32 @!p2 $0x0  }
0x1d: {  	s5 =	simm.s32 @p1 $0x1;
	p0 =	seq.s32 s7, s2  }
0x1e: {  	s7 =	smul.u32 @!p0 $0xF7A, s2;
	p2 =	seq.s32 @!p0 s5, $0x0  }
0x1f: {  	s9 =	smul.u32 $0xF7A, s1;
	s8 =	simm.s32 @!p0 $0x1BF5;
	p2 =	por !p2, p0  }
0x20: {  	[sflag:s8] =	ssyncset.s32 @!p0 $0xFFFFF086;
	s6 =	sadd.s32 @!p0 s3, s7;
	s7 =	simm.s32 @!p0 $0x108  }
0x21: {  	s3 =	sadd.s32 s3, s9;
	s6 =	sadd.s32 @!p0 $0x88, s6;
	s7 =	simm.s32 @p2 $0x1082  }
0x22: {  	[simem:s7], [sflag:s8] =	dma.local @!p0 [hbm:s6], $0xF7A  }
0x23: {  	s9 =	sor.u32 $0xD0000000, s2;
	s6 =	simm.s32 $0x108;
	_ =	swait.ge @!p0 [sflag:s8], $0x0  }
0x24: {  	s3 =	sadd.s32 $0x88, s3;
	s6 =	simm.s32 @!p1 $0x1082;
	[sflag:s4] =	ssyncset.s32 $0xFFFFF086  }
0x25: {  	[simem:s6], [sflag:s4] =	dma.local [hbm:s3], $0xF7A  }
0x26: {  	[smem:$0x3F9F] =	sst s1;
	(tag) =	ssettag s2;
	_ =	strace s9  }
0x27: {  	s1 =	sld [smem:$0x3FAF]  }
0x28: {  	s2 =	sld [smem:$0x3FB0]  }
0x29: {  	s4 =	sld [smem:$0x3FB2]  }
0x2a: {  	p0 =	seq.s32 s5, $0x0;
	s5 =	sld [smem:$0x3FB3]  }
0x2b: {  	s6 =	sld [smem:$0x3FB4]  }
0x2c: {  	s7 =	sld [smem:$0x3FB5]  }
0x2d: {  	s3 =	simm.s32 $0x108;
	s8 =	sld [smem:$0x3FB6]  }
0x2e: {  	s3 =	simm.s32 @!p0 $0x1082;
	s9 =	sld [smem:$0x3FB7]  }
0x2f: {  	lr =	sadd.s32 s0, s3;
	s0 =	sld [smem:$0x3FAE]  }
0x30: {  	s3 =	sld [smem:$0x3FB1]  }
0x31: {  	[smem:$0x3FBA] =	sst s10  }
0x32: {  	s10 =	sld [smem:$0x3FB8];
	_ =	sdelay $0x3  }
0x33: {  	p0 =	seq.s32 s10, $0x1;
	s10 =	sld [smem:$0x3FBA];
	_ =	sdelay $0x3  }
0x34: {  	[smem:$0x3FBA] =	sst s10  }
0x35: {  	s10 =	sld [smem:$0x3FB9];
	_ =	sdelay $0x3  }
0x36: {  	p1 =	seq.s32 s10, $0x1;
	s10 =	sld [smem:$0x3FBA];
	_ =	sdelay $0x3  }
0x37: {  	[smem:$0x3FBA] =	sst s10  }
0x38: {  	s10 =	sld [smem:$0x3FBB]  }
0x39: {  	_ = 	snop;
	(pc) =	sbr.ind lr, $3  }
0x3a: {  	_ = 	snop  }
0x3b: {  	_ = 	snop  }
0x3c: {  	p2 =	seq.s32 s10, $0x1;
	s10 =	sld [smem:$0x3FBA]  }
0x3d: {  	_ =	shalt  }
0x3e: {  	_ =	shalt  }
0x3f: {  	_ =	shalt  }
0x40: {  	_ =	shalt  }
0x41: {  	_ =	shalt  }
0x42: {  	_ =	shalt  }
0x43: {  	_ =	shalt  }
0x44: {  	_ =	shalt  }
0x45: {  	_ =	shalt  }
0x46: {  	_ =	shalt  }
0x47: {  	_ =	shalt  }
0x48: {  	_ =	shalt  }
0x49: {  	_ =	shalt  }
0x4a: {  	_ =	shalt  }
0x4b: {  	_ =	shalt  }
0x4c: {  	_ =	shalt  }
0x4d: {  	_ =	shalt  }
0x4e: {  	_ =	shalt  }
0x4f: {  	_ =	shalt  }
0x50: {  	_ =	shalt  }
0x51: {  	_ =	shalt  }
0x52: {  	_ =	shalt  }
0x53: {  	_ =	shalt  }
0x54: {  	_ =	shalt  }
0x55: {  	_ =	shalt  }
0x56: {  	_ =	shalt  }
0x57: {  	_ =	shalt  }
0x58: {  	_ =	shalt  }
0x59: {  	_ =	shalt  }
0x5a: {  	_ =	shalt  }
0x5b: {  	_ =	shalt  }
0x5c: {  	_ =	shalt  }
0x5d: {  	_ =	shalt  }
0x5e: {  	_ =	shalt  }
0x5f: {  	_ =	shalt  }
0x60: {  	_ =	shalt  }
0x61: {  	_ =	shalt  }
0x62: {  	_ =	shalt  }
0x63: {  	_ =	shalt  }
0x64: {  	_ =	shalt  }
0x65: {  	_ =	shalt  }
0x66: {  	_ =	shalt  }
0x67: {  	_ =	shalt  }
0x68: {  	_ =	shalt  }
0x69: {  	_ =	shalt  }
0x6a: {  	_ =	shalt  }
0x6b: {  	_ =	shalt  }
0x6c: {  	_ =	shalt  }
0x6d: {  	_ =	shalt  }
0x6e: {  	_ =	shalt  }
0x6f: {  	_ =	shalt  }
0x70: {  	_ =	shalt  }
0x71: {  	_ =	shalt  }
0x72: {  	_ =	shalt  }
0x73: {  	_ =	shalt  }
0x74: {  	_ =	shalt  }
0x75: {  	_ =	shalt  }
0x76: {  	_ =	shalt  }
0x77: {  	_ =	shalt  }
0x78: {  	_ =	shalt  }
0x79: {  	_ =	shalt  }
0x7a: {  	_ =	shalt  }
0x7b: {  	_ =	shalt  }
0x7c: {  	_ =	shalt  }
0x7d: {  	_ =	shalt  }
0x7e: {  	_ =	shalt  }
0x7f: {  	_ =	shalt  }
0x80: {  	_ =	shalt  }
0x81: {  	_ =	shalt  }
0x82: {  	_ =	shalt  }
0x83: {  	_ =	shalt  }
0x84: {  	_ =	shalt  }
0x85: {  	_ =	shalt  }
0x86: {  	_ =	shalt  }
0x87: {  	_ =	shalt  }
.Lfunc_end0:
.L_simem_size_0:
called_computation_lowered:
.L_overlay_start_0:
0x88: {  	s2 =	sld [smem:$0x3FD9]  }
0x89: {  	s3 =	sld [smem:$0x3FFE];
	_ =	sdelay $0x1  }
0x8a: {  	s1 =	srdreg.scid  }
0x8b: {  	s0 =	sand.u32 $0x1, s1  }
0x8c: {  	s17 =	sshll.u32 s0, $0xA;
	s2 =	sadd.s32 s3, s2  }
0x8d: {  	s2 =	sadd.s32 s2, s17  }
0x8e: {  	[smem:$0x3FC6] =	sst s2  }
0x8f: {  	_ = 	snop  }
0x90: {  	s2 =	sld [smem:$0x3FC9]  }
0x91: {  	s18 =	sld [smem:$0x3FD0];
	(tm) =	ssettm $0x1  }
0x92: {  	s4 =	sld [smem:$0x3FFB];
	_ =	sdelay $0x3  }
0x93: {  	_ =	strace s4  }
0x94: {  	s4 =	sld [smem:$0x3FFC];
	_ =	sdelay $0x3  }
0x95: {  	_ =	strace s4  }
0x96: {  	s4 =	sld [smem:$0x3FFD];
	_ =	sdelay $0x3  }
0x97: {  	_ =	strace s4  }
0x98: {  	_ =	strace $0x8FFFFFFF  }
0x99: {  	s19 =	sld [smem:$0x3FDB];
	_ =	sdelay $0x1  }
0x9a: {  	s5 =	simm.s32 $_scs_section_size  }
0x9b: {  	s6 =	simm.s32 $_size__tile_overlayer_lowered;
	s7 =	simm.s32 $_tile_overlayer_lowered  }
0x9c: {  	s22 =	simm.s32 $0x1BFF;
	s21 =	sshll.u32 s7, $0x1;
	s4 =	sadd.s32 s5, s19  }
0x9d: {  	s8 =	simm.s32 $0x0;
	s20 =	sshll.u32 s6, $0x1;
	s6 =	sadd.s32 s21, s4  }
0x9e: {  	[timem:s8], [sflag:s22] =	dma.local [hbm:s6], s20  }
0x9f: {  	_ =	swait.ge [sflag:s22], s20  }
0xa0: {  	s5 =	ssub.s32 $0x0, s20;
	[sflag:s22] =	ssyncset.done $0x0  }
0xa1: {  	[sflag:s22] =	ssyncadd.s32 s5;
	_ =	sdelay $0x1  }
0xa2: {  	s23 =	simm.s32 $0x1B8B  }
0xa3: {  	_ =	swait.ge [sflag:s23], $0x1  }
0xa4: {  	[sflag:s23] =	ssyncset.done $0x0  }
0xa5: {  	s25 =	simm.s32 $0x1B8E;
	s24 =	sld [smem:$0x3FFE];
	[sflag:s23] =	ssyncadd.s32 $0xFFFFFFFF  }
0xa6: {  	s26 =	simm.s32 $execute0_lowered;
	[smem:$0x3FD2] =	sst s25  }
0xa7: {  	s6 =	sshll.u32 s26, $0x1;
	_ =	strace $0x80000046;
	[dreg:$0x1] =	wrdreg $0xFFFFFFFF  }
0xa8: {  	s28 =	simm.s32 $_size_execute0_lowered;
	s4 =	sadd.s32 s4, s6;
	[dreg:$0x0] =	wrdreg $0x0  }
0xa9: {  	s6 =	sshll.u32 s28, $0x1;
	[dreg:$0x2] =	wrdreg s4  }
0xaa: {  	[dreg:$0x3] =	wrdreg s6  }
0xab: {  	[dreg:$0x4] =	wrdreg $0xC0  }
0xac: {  	_ =	task [dreg:s8], $0x5FFFF  }
0xad: {  	[dreg:$0x1] =	wrdreg $0xFFFFFFFF  }
0xae: {  	[dreg:$0x0] =	wrdreg $0x60  }
0xaf: {  	[dreg:$0x2] =	wrdreg s2  }
0xb0: {  	[dreg:$0x3] =	wrdreg s24  }
0xb1: {  	[dreg:$0x4] =	wrdreg s18  }
0xb2: {  	[dreg:$0x5] =	wrdreg $0x9  }
0xb3: {  	_ =	task.clear_ibuf [dreg:s8], $0x6FFFF;
	_ =	strace $0x90000046  }
0xb4: {  	s29 =	simm.s32 $0x9;
	_ =	strace $0x80000048  }
0xb5: {  	_ =	swait.ge [sflag:s29], $0x1  }
0xb6: {  	[sflag:s29] =	ssyncadd.s32 $0xFFFFFFFF  }
0xb7: {  	_ =	strace $0x90000048  }
0xb8: {  	_ =	sfence  }
0xb9: {  	s30 =	sld [smem:$0x0];
	_ =	sdelay $0x2  }
0xba: {  	s31 =	sshll.u32 s1, $0xD;
	s1 =	sshrl.u32 s1, $0x2  }
0xbb: {  	s3 =	sand.u32 $0x4000, s31;
	s1 =	sadd.s32 s1, s30  }
0xbc: {  	s0 =	sor.u32 s3, s0;
	s1 =	sshll.u32 s1, $0x11  }
0xbd: {  	s0 =	sor.u32 s1, s0  }
0xbe: {  	s0 =	sadd.s32 $0x8F2B, s0  }
0xbf: {  	[sflag:s0] =	ssyncadd.remote.s32 $0x1  }
0xc0: {  	_ =	sfence.sel $0xFFFF  }
0xc1: {  	[dreg:$0x0] =	wrdreg $0xFFFFFFFF;
	(pc) =	sbr.abs _section_cstart, $3  }
0xc2: {  	[dreg:$0x1] =	wrdreg $0xFFFFFFFF  }
0xc3: {  	_ =	task.clear_ibuf [dreg:s8], $0x2FFFF;
	_ =	strace $0x9FFFFFFF  }
0xc4: {  	(tm) =	ssettm $0x7FFFFFFF  }
0xc5: {  	_ =	shalt  }
tec
execute0_lowered:
.L_overlay_start_1:
0x0: {  	(tag) =	ssettag $0x1  }
0x1: {  	s0 =	srdreg.scid  }
0x2: {  	s1 =	rddreg [dreg:$0x0];
	s3 =	stileid.u32;
	s0 =	sand.u32 $0x1, s0  }
0x3: {  	s2 =	rddreg [dreg:$0x1];
	s3 =	sshll.u32 s3, $0xA;
	s4 =	sshll.u32 s0, $0x9  }
0x4: {  	s5 =	rddreg [dreg:$0x2];
	s4 =	sor.u32 s4, s3;
	s3 =	simm.s32 $0x0  }
0x5: {  	s19 =	simm.s32 $0x200;
	[smem:$0x7FF] =	sst s3  }
0x6: {  	s20 =	simm.s32 $0x9000;
	_ =	strace $0x80000047;
	[dreg:$0xd] =	wrdreg s19  }
0x7: {  	s21 =	simm.s32 $0x9800;
	[dreg:$0xe] =	wrdreg s20  }
0x8: {  	s22 =	simm.s32 $0xA000;
	[dreg:$0xf] =	wrdreg s21  }
0x9: {  	s23 =	simm.s32 $0xA800;
	[dreg:$0x10] =	wrdreg s22  }
0xa: {  	s24 =	simm.s32 $0xB000;
	[dreg:$0x11] =	wrdreg s23  }
0xb: {  	s25 =	simm.s32 $0xB800;
	[dreg:$0x12] =	wrdreg s24  }
0xc: {  	s7 =	simm.s32 $0xD800;
	[dreg:$0x13] =	wrdreg s25  }
0xd: {  	s8 =	simm.s32 $0xE000;
	s9 =	simm.s32 $0xE800;
	[dreg:$0x16] =	wrdreg s7  }
0xe: {  	s10 =	simm.s32 $0xF000;
	s0 =	ssub.s32 $0x2, s0;
	[dreg:$0x17] =	wrdreg s8  }
0xf: {  	s11 =	simm.s32 $0xF800;
	s26 =	sshrl.u32 s0, $0x1;
	[dreg:$0x18] =	wrdreg s9  }
0x10: {  	s6 =	sshrl.u32 s4, $0x3;
	s4 =	sshll.u32 s4, $0x5;
	[dreg:$0x19] =	wrdreg s10  }
0x11: {  	s0 =	ssub.s32 s0, s26;
	s26 =	simm.s32 $0x18000;
	[dreg:$0x1a] =	wrdreg s11  }
0x12: {  	s4 =	sadd.s32 s5, s4;
	[smem:$0x7FD] =	sst s26  }
0x13: {  	s19 =	simm.s32 $0x14000;
	[smem:$0x7F3] =	sst s4  }
0x14: {  	s20 =	simm.s32 $0x15000;
	[smem:$0x7F6] =	sst s19  }
0x15: {  	s21 =	simm.s32 $0x15800;
	[smem:$0x7F7] =	sst s20  }
0x16: {  	s28 =	simm.s32 $0x1;
	s22 =	simm.s32 $0x16000;
	[smem:$0x7F8] =	sst s21  }
0x17: {  	s29 =	simm.s32 $0x7;
	s23 =	simm.s32 $0x16800;
	[smem:$0x7F9] =	sst s22  }
0x18: {  	s30 =	simm.s32 $0x2;
	s24 =	simm.s32 $0x17000;
	[smem:$0x7FA] =	sst s23  }
0x19: {  	s2 =	sadd.s32 s6, s2;
	s25 =	simm.s32 $0x17800;
	[smem:$0x7FB] =	sst s24  }
0x1a: {  	s31 =	simm.s32 $0x8;
	s6 =	sadd.s32 $0xE00, s2;
	[smem:$0x7FC] =	sst s25  }
0x1b: {  	s5 =	smax.u32 s0, $0x1;
	s2 =	sadd.s32 $0x600, s2;
	[dreg:$0x4] =	wrdreg s6  }
0x1c: {  	s7 =	simm.s32 $0x800;
	s12 =	sadd.s32 $0x800, s4;
	[dreg:$0x5] =	wrdreg s2  }
0x1d: {  	s26 =	simm.s32 $0x6000;
	s13 =	sadd.s32 $0x1000, s4;
	[dreg:$0x6] =	wrdreg s12  }
0x1e: {  	s8 =	simm.s32 $0x8000;
	s14 =	sadd.s32 $0x1800, s4;
	[dreg:$0x7] =	wrdreg s13  }
0x1f: {  	s9 =	simm.s32 $0x8800;
	s15 =	sadd.s32 $0x2000, s4;
	[dreg:$0x8] =	wrdreg s14  }
0x20: {  	s10 =	simm.s32 $0xC800;
	s16 =	sadd.s32 $0x2800, s4;
	[dreg:$0x9] =	wrdreg s15  }
0x21: {  	s11 =	simm.s32 $0x10800;
	s17 =	sadd.s32 $0x3000, s4;
	[dreg:$0xa] =	wrdreg s16  }
0x22: {  	s18 =	sadd.s32 $0x3800, s4;
	s4 =	simm.s32 $0xC000;
	[dreg:$0xb] =	wrdreg s17  }
0x23: {  	s19 =	simm.s32 $0x2000;
	s20 =	simm.s32 $0x2800;
	[dreg:$0xc] =	wrdreg s18  }
0x24: {  	s21 =	simm.s32 $0x3000;
	[dreg:$0x14] =	wrdreg s4;
	s6 =	simm.s32 $0xD000  }
0x25: {  	s22 =	simm.s32 $0x3800;
	s12 =	simm.s32 $0x10000;
	[dreg:$0x15] =	wrdreg s6  }
0x26: {  	s23 =	simm.s32 $0x4000;
	s13 =	simm.s32 $0x11000;
	[dreg:$0x1b] =	wrdreg s12  }
0x27: {  	s24 =	simm.s32 $0x5000;
	s14 =	simm.s32 $0x11800;
	[dreg:$0x1c] =	wrdreg s13  }
0x28: {  	s25 =	simm.s32 $0x5800;
	s15 =	simm.s32 $0x12000;
	[dreg:$0x1d] =	wrdreg s14  }
0x29: {  	s16 =	simm.s32 $0x12800;
	s17 =	simm.s32 $0x13000;
	[dreg:$0x1e] =	wrdreg s15  }
0x2a: {  	s18 =	simm.s32 $0x13800;
	s4 =	simm.s32 $0x6800;
	[dreg:$0x1f] =	wrdreg s16  }
0x2b: {  	v2 =	vlaneseq.u32;
	s2 =	simm.s32 $0x7000;
	s6 =	simm.s32 $0xD;
	[smem:$0x7F4] =	sst s17  }
0x2c: {  	vm0 =	vmmov $0xffff;
	v1 =	vshrl.u32 v2, $0x3;
	s15 =	simm.s32 $0x4800;
	[smem:$0x7F5] =	sst s18;
	s13 =	simm.s32 $0xC  }
0x2d: {  	v0 =	vand.u32 $0x7, v2;
	v2 =	vor.u32 $0x8, v2;
	v1 =	vmul.u32 $0x8, v1;
	s17 =	simm.s32 $0x1000;
	s18 =	simm.s32 $0x1800;
	s12 =	simm.s32 $0x14800  }
.LBB2_1:
0x2e: {  	s14 =	rddreg [dreg:$0x4]  }
0x2f: {  	[tilespmem:s3], [sflag:$0xD] =	stream.linear.gather [hbm4b:s14+s3], $0x200, $0x38;
	[tilespmem:$0x18800] =	vst v63  }
0x30: {  	_ =	swait.ge [sflag:s6], $0x200  }
0x31: {  	s0 =	rddreg [dreg:$0x5];
	[sflag:s6] =	ssyncset.done $0x0  }
0x32: {  	s16 =	rddreg [dreg:$0xd];
	[sflag:s6] =	ssyncadd.s32 $0xFFFFFE00  }
0x33: {  	[tilespmem:s16], [sflag:$0xD] =	stream.linear.gather [hbm4b:s0+s3], $0x200, $0x38;
	[tilespmem:$0x18800] =	vst v63  }
0x34: {  	_ =	swait.ge [sflag:s6], $0x200  }
0x35: {  	[sflag:s6] =	ssyncset.done $0x0  }
0x36: {  	[sflag:s6] =	ssyncadd.s32 $0xFFFFFE00  }
0x37: {  	v4 =	vld [tilespmem:$0x0]  }
0x38: {  	v3 =	vld [tilespmem:$0x200]  }
0x39: {  	v5 =	vld [tilespmem:$0x10]  }
0x3a: {  	v6 =	vld [tilespmem:$0x210]  }
0x3b: {  	v7 =	vld [tilespmem:$0x20]  }
0x3c: {  	v8 =	vld [tilespmem:$0x220]  }
0x3d: {  	v9 =	vld [tilespmem:$0x30]  }
0x3e: {  	v10 =	vld [tilespmem:$0x230]  }
0x3f: {  	v11 =	vld [tilespmem:$0x40]  }
0x40: {  	v12 =	vld [tilespmem:$0x240]  }
0x41: {  	v13 =	vld [tilespmem:$0x50]  }
0x42: {  	v14 =	vld [tilespmem:$0x250]  }
0x43: {  	v15 =	vld [tilespmem:$0x60]  }
0x44: {  	v16 =	vld [tilespmem:$0x260]  }
0x45: {  	v17 =	vld [tilespmem:$0x70]  }
0x46: {  	v18 =	vld [tilespmem:$0x270]  }
0x47: {  	v19 =	vld [tilespmem:$0x80]  }
0x48: {  	v20 =	vld [tilespmem:$0x280]  }
0x49: {  	v21 =	vld [tilespmem:$0x90]  }
0x4a: {  	v22 =	vld [tilespmem:$0x290]  }
0x4b: {  	v23 =	vld [tilespmem:$0xA0]  }
0x4c: {  	v24 =	vld [tilespmem:$0x2A0]  }
0x4d: {  	v25 =	vld [tilespmem:$0xB0]  }
0x4e: {  	v26 =	vld [tilespmem:$0x2B0]  }
0x4f: {  	v27 =	vld [tilespmem:$0xC0]  }
0x50: {  	v28 =	vld [tilespmem:$0x2C0]  }
0x51: {  	v29 =	vld [tilespmem:$0xD0]  }
0x52: {  	v30 =	vld [tilespmem:$0x2D0]  }
0x53: {  	v31 =	vld [tilespmem:$0xE0]  }
0x54: {  	v32 =	vld [tilespmem:$0x2E0]  }
0x55: {  	v33 =	vld [tilespmem:$0xF0]  }
0x56: {  	v34 =	vld [tilespmem:$0x2F0]  }
0x57: {  	v35 =	vld [tilespmem:$0x100]  }
0x58: {  	v36 =	vld [tilespmem:$0x300]  }
0x59: {  	v37 =	vld [tilespmem:$0x110]  }
0x5a: {  	v38 =	vld [tilespmem:$0x310]  }
0x5b: {  	v39 =	vld [tilespmem:$0x120];
	v5 =	vshll.u32 v5, $0x9  }
0x5c: {  	v54 =	vld [tilespmem:$0x160];
	v63 =	vshll.u32 v7, $0x9;
	v5 =	vadd.s32 v6, v5  }
0x5d: {  	v57 =	vld [tilespmem:$0x360];
	v41 =	vshll.u32 v9, $0x9;
	v40 =	vadd.s32 v8, v63;
	[tilespmem:$0x410] =	vst v5  }
0x5e: {  	v60 =	vld [tilespmem:$0x170];
	v43 =	vshll.u32 v11, $0x9;
	v42 =	vadd.s32 v10, v41;
	[tilespmem:$0x420] =	vst v40  }
0x5f: {  	v7 =	vld [tilespmem:$0x320];
	v45 =	vshll.u32 v13, $0x9;
	v44 =	vadd.s32 v12, v43;
	[tilespmem:$0x430] =	vst v42  }
0x60: {  	v9 =	vld [tilespmem:$0x330];
	v47 =	vshll.u32 v15, $0x9;
	v46 =	vadd.s32 v14, v45;
	[tilespmem:$0x480] =	vst v44  }
0x61: {  	v11 =	vld [tilespmem:$0x340];
	v49 =	vshll.u32 v17, $0x9;
	v48 =	vadd.s32 v16, v47;
	[tilespmem:$0x490] =	vst v46  }
0x62: {  	v51 =	vshll.u32 v19, $0x9;
	v13 =	vld [tilespmem:$0x350];
	v53 =	vshll.u32 v21, $0x9;
	v50 =	vadd.s32 v18, v49;
	[tilespmem:$0x4A0] =	vst v48  }
0x63: {  	v59 =	vshll.u32 v25, $0x9;
	v25 =	vshll.u32 v29, $0x9;
	v29 =	vld [tilespmem:$0x380];
	v52 =	vadd.s32 v20, v51;
	[tilespmem:$0x4B0] =	vst v50  }
0x64: {  	v56 =	vshll.u32 v23, $0x9;
	v21 =	vld [tilespmem:$0x1F0];
	v55 =	vadd.s32 v22, v53;
	[tilespmem:$0x500] =	vst v52  }
0x65: {  	v8 =	vld [tilespmem:$0x130];
	v58 =	vadd.s32 v24, v56;
	[tilespmem:$0x510] =	vst v55  }
0x66: {  	v62 =	vshll.u32 v27, $0x9;
	v10 =	vld [tilespmem:$0x140];
	v61 =	vadd.s32 v26, v59;
	[tilespmem:$0x520] =	vst v58  }
0x67: {  	v12 =	vld [tilespmem:$0x150];
	v24 =	vadd.s32 v28, v62;
	[tilespmem:$0x530] =	vst v61  }
0x68: {  	v37 =	vshll.u32 v37, $0x9;
	v63 =	vld [tilespmem:$0x370];
	v27 =	vadd.s32 v30, v25;
	[tilespmem:$0x580] =	vst v24  }
0x69: {  	v54 =	vshll.u32 v54, $0x9;
	v26 =	vld [tilespmem:$0x180];
	v41 =	vadd.s32 v38, v37;
	[tilespmem:$0x590] =	vst v27  }
0x6a: {  	v4 =	vshll.u32 v4, $0x9;
	v43 =	vld [tilespmem:$0x3A0];
	v56 =	vadd.s32 v57, v54;
	[tilespmem:$0x610] =	vst v41  }
0x6b: {  	v28 =	vshll.u32 v31, $0x9;
	v49 =	vld [tilespmem:$0x3B0];
	v4 =	vadd.s32 v3, v4;
	[tilespmem:$0x6A0] =	vst v56  }
0x6c: {  	v31 =	vshll.u32 v33, $0x9;
	v30 =	vadd.s32 v32, v28;
	v32 =	vld [tilespmem:$0x190];
	[tilespmem:$0x400] =	vst v4  }
0x6d: {  	v33 =	vadd.s32 v34, v31;
	v34 =	vshll.u32 v35, $0x9;
	v35 =	vld [tilespmem:$0x390];
	[tilespmem:$0x5A0] =	vst v30  }
0x6e: {  	v40 =	vld [tilespmem:$0x1A0];
	v42 =	vshll.u32 v39, $0x9;
	[tilespmem:$0x5B0] =	vst v33;
	v36 =	vadd.s32 v36, v34  }
0x6f: {  	v57 =	vshll.u32 v60, $0x9;
	v46 =	vld [tilespmem:$0x1B0];
	[tilespmem:$0x600] =	vst v36;
	v44 =	vadd.s32 v7, v42  }
0x70: {  	v24 =	vld [tilespmem:$0x3F0];
	v45 =	vshll.u32 v8, $0x9;
	[tilespmem:$0x620] =	vst v44;
	v59 =	vadd.s32 v63, v57  }
0x71: {  	v52 =	vld [tilespmem:$0x1C0];
	v48 =	vshll.u32 v10, $0x9;
	v47 =	vadd.s32 v9, v45;
	[tilespmem:$0x6B0] =	vst v59  }
0x72: {  	v3 =	vand.u32 $0x7, v3;
	v55 =	vld [tilespmem:$0x3C0];
	v51 =	vshll.u32 v12, $0x9;
	v50 =	vadd.s32 v11, v48;
	[tilespmem:$0x630] =	vst v47  }
0x73: {  	v58 =	vld [tilespmem:$0x1D0];
	v4 =	vshll.u32 v4, $0x1;
	v60 =	vshll.u32 v26, $0x9;
	v53 =	vadd.s32 v13, v51;
	[tilespmem:$0x680] =	vst v50  }
0x74: {  	v61 =	vld [tilespmem:$0x3D0];
	v4 =	vand.u32 $0xFFFFFFF0, v4;
	v31 =	vshll.u32 v21, $0x9;
	v6 =	vadd.s32 v29, v60;
	[tilespmem:$0x690] =	vst v53  }
0x75: {  	v3 =	vor.u32 v3, v4;
	v63 =	vld [tilespmem:$0x1E0];
	v62 =	vshll.u32 v32, $0x9;
	v32 =	vadd.s32 v24, v31;
	[tilespmem:$0x700] =	vst v6  }
0x76: {  	v19 =	vld [tilespmem:$0x3E0];
	v25 =	vperm.xlane v3, v0;
	v18 =	vshll.u32 v40, $0x9;
	v20 =	vadd.s32 v35, v62;
	[tilespmem:$0x7B0] =	vst v32  }
0x77: {  	v3 =	vperm.xlane v3, v2;
	v22 =	vshll.u32 v46, $0x9;
	v5 =	vadd.s32 v43, v18;
	[tilespmem:$0x710] =	vst v20  }
0x78: {  	v23 =	vshll.u32 v52, $0x9;
	v28 =	vadd.s32 v1, v25;
	v4 =	vadd.s32 v49, v22;
	[tilespmem:$0x720] =	vst v5  }
0x79: {  	v27 =	vshll.u32 v58, $0x9;
	v26 =	vadd.s32 v55, v23;
	[tilespmem:$0x730] =	vst v4  }
0x7a: {  	v3 =	vadd.s32 v1, v3;
	[tilespmem:$0x780] =	vst v26;
	v4 =	vadd.s32 v61, v27;
	v29 =	vshll.u32 v63, $0x9  }
0x7b: {  	[tilespmem:$0x790] =	vst v4;
	v30 =	vadd.s32 v19, v29  }
0x7c: {  	[tilespmem:$0x7A0] =	vst v30  }
0x7d: {  	[tilespmem:s7], [sflag:$0x1] =	stream.indirect_vreg.gather [hbm4b:s1+s3], $0x80, v28, vm0, $0xb8;
	[tilespmem:$0x18800] =	vst v63  }
0x7e: {  	_ = 	snop  }
0x7f: {  	[tilespmem:s17], [sflag:$0x1] =	stream.indirect_vreg.gather [hbm4b:s1+s3], $0x80, v3, vm0, $0xb8;
	[tilespmem:$0x18800] =	vst v63  }
0x80: {  	v3 =	vld [tilespmem:$0x410];
	_ =	sdelay $0x4  }
0x81: {  	v33 =	vshll.u32 v3, $0x1  }
0x82: {  	v3 =	vand.u32 $0x7, v3;
	v4 =	vand.u32 $0xFFFFFFF0, v33  }
0x83: {  	v3 =	vor.u32 v3, v4  }
0x84: {  	v4 =	vperm.xlane v3, v0;
	_ =	sdelay $0x1  }
0x85: {  	v3 =	vperm.xlane v3, v2;
	v4 =	vadd.s32 v1, v4;
	_ =	sdelay $0x1  }
0x86: {  	v3 =	vadd.s32 v1, v3;
	_ =	sdelay $0x2  }
0x87: {  	[tilespmem:s18], [sflag:$0x1] =	stream.indirect_vreg.gather [hbm4b:s1+s3], $0x80, v4, vm0, $0xb8;
	[tilespmem:$0x18800] =	vst v63  }
0x88: {  	_ = 	snop  }
0x89: {  	[tilespmem:s19], [sflag:$0x1] =	stream.indirect_vreg.gather [hbm4b:s1+s3], $0x80, v3, vm0, $0xb8;
	[tilespmem:$0x18800] =	vst v63  }
0x8a: {  	v3 =	vld [tilespmem:$0x420];
	_ =	sdelay $0x4  }
0x8b: {  	v34 =	vshll.u32 v3, $0x1  }
0x8c: {  	v3 =	vand.u32 $0x7, v3;
	v4 =	vand.u32 $0xFFFFFFF0, v34  }
0x8d: {  	v3 =	vor.u32 v3, v4  }
0x8e: {  	v4 =	vperm.xlane v3, v0;
	_ =	sdelay $0x1  }
0x8f: {  	v3 =	vperm.xlane v3, v2;
	v4 =	vadd.s32 v1, v4;
	_ =	sdelay $0x1  }
0x90: {  	v3 =	vadd.s32 v1, v3;
	_ =	sdelay $0x2  }
0x91: {  	[tilespmem:s20], [sflag:$0x1] =	stream.indirect_vreg.gather [hbm4b:s1+s3], $0x80, v4, vm0, $0xb8;
	[tilespmem:$0x18800] =	vst v63  }
0x92: {  	_ = 	snop  }
0x93: {  	[tilespmem:s21], [sflag:$0x1] =	stream.indirect_vreg.gather [hbm4b:s1+s3], $0x80, v3, vm0, $0xb8;
	[tilespmem:$0x18800] =	vst v63  }
0x94: {  	v3 =	vld [tilespmem:$0x430];
	_ =	sdelay $0x4  }
0x95: {  	v35 =	vshll.u32 v3, $0x1  }
0x96: {  	v3 =	vand.u32 $0x7, v3;
	v4 =	vand.u32 $0xFFFFFFF0, v35  }
0x97: {  	v3 =	vor.u32 v3, v4  }
0x98: {  	v4 =	vperm.xlane v3, v0;
	_ =	sdelay $0x1  }
0x99: {  	v3 =	vperm.xlane v3, v2;
	v4 =	vadd.s32 v1, v4;
	_ =	sdelay $0x1  }
0x9a: {  	v3 =	vadd.s32 v1, v3;
	_ =	sdelay $0x2  }
0x9b: {  	[tilespmem:s22], [sflag:$0x1] =	stream.indirect_vreg.gather [hbm4b:s1+s3], $0x80, v4, vm0, $0xb8;
	[tilespmem:$0x18800] =	vst v63  }
0x9c: {  	_ = 	snop  }
0x9d: {  	[tilespmem:s23], [sflag:$0x1] =	stream.indirect_vreg.gather [hbm4b:s1+s3], $0x80, v3, vm0, $0xb8;
	[tilespmem:$0x18800] =	vst v63  }
0x9e: {  	v3 =	vld [tilespmem:$0x480];
	_ =	sdelay $0x4  }
0x9f: {  	v36 =	vshll.u32 v3, $0x1  }
0xa0: {  	v3 =	vand.u32 $0x7, v3;
	v4 =	vand.u32 $0xFFFFFFF0, v36  }
0xa1: {  	v3 =	vor.u32 v3, v4  }
0xa2: {  	v4 =	vperm.xlane v3, v0;
	_ =	sdelay $0x1  }
0xa3: {  	v3 =	vperm.xlane v3, v2;
	v4 =	vadd.s32 v1, v4;
	_ =	sdelay $0x1  }
0xa4: {  	v3 =	vadd.s32 v1, v3;
	_ =	sdelay $0x2  }
0xa5: {  	[tilespmem:s15], [sflag:$0x2] =	stream.indirect_vreg.gather [hbm4b:s1+s3], $0x80, v4, vm0, $0xb8;
	[tilespmem:$0x18800] =	vst v63  }
0xa6: {  	_ = 	snop  }
0xa7: {  	[tilespmem:s24], [sflag:$0x2] =	stream.indirect_vreg.gather [hbm4b:s1+s3], $0x80, v3, vm0, $0xb8;
	[tilespmem:$0x18800] =	vst v63  }
0xa8: {  	v3 =	vld [tilespmem:$0x490];
	_ =	sdelay $0x4  }
0xa9: {  	v37 =	vshll.u32 v3, $0x1  }
0xaa: {  	v3 =	vand.u32 $0x7, v3;
	v4 =	vand.u32 $0xFFFFFFF0, v37  }
0xab: {  	v3 =	vor.u32 v3, v4  }
0xac: {  	v4 =	vperm.xlane v3, v0;
	_ =	sdelay $0x1  }
0xad: {  	v3 =	vperm.xlane v3, v2;
	v4 =	vadd.s32 v1, v4;
	_ =	sdelay $0x1  }
0xae: {  	v3 =	vadd.s32 v1, v3;
	_ =	sdelay $0x2  }
0xaf: {  	[tilespmem:s25], [sflag:$0x2] =	stream.indirect_vreg.gather [hbm4b:s1+s3], $0x80, v4, vm0, $0xb8;
	[tilespmem:$0x18800] =	vst v63  }
0xb0: {  	_ = 	snop  }
0xb1: {  	[tilespmem:s26], [sflag:$0x2] =	stream.indirect_vreg.gather [hbm4b:s1+s3], $0x80, v3, vm0, $0xb8;
	[tilespmem:$0x18800] =	vst v63  }
0xb2: {  	v3 =	vld [tilespmem:$0x4A0];
	_ =	sdelay $0x4  }
0xb3: {  	v38 =	vshll.u32 v3, $0x1  }
0xb4: {  	v3 =	vand.u32 $0x7, v3;
	v4 =	vand.u32 $0xFFFFFFF0, v38  }
0xb5: {  	v3 =	vor.u32 v3, v4  }
0xb6: {  	v4 =	vperm.xlane v3, v0;
	_ =	sdelay $0x1  }
0xb7: {  	v3 =	vperm.xlane v3, v2;
	v4 =	vadd.s32 v1, v4;
	_ =	sdelay $0x1  }
0xb8: {  	v3 =	vadd.s32 v1, v3;
	_ =	sdelay $0x2  }
0xb9: {  	[tilespmem:s4], [sflag:$0x2] =	stream.indirect_vreg.gather [hbm4b:s1+s3], $0x80, v4, vm0, $0xb8;
	[tilespmem:$0x18800] =	vst v63  }
0xba: {  	_ = 	snop  }
0xbb: {  	[tilespmem:s2], [sflag:$0x2] =	stream.indirect_vreg.gather [hbm4b:s1+s3], $0x80, v3, vm0, $0xb8;
	[tilespmem:$0x18800] =	vst v63  }
0xbc: {  	v3 =	vld [tilespmem:$0x4B0];
	_ =	sdelay $0x4  }
0xbd: {  	v39 =	vshll.u32 v3, $0x1  }
0xbe: {  	v3 =	vand.u32 $0x7, v3;
	v4 =	vand.u32 $0xFFFFFFF0, v39  }
0xbf: {  	v3 =	vor.u32 v3, v4  }
0xc0: {  	v4 =	vperm.xlane v3, v0;
	_ =	sdelay $0x1  }
0xc1: {  	v3 =	vperm.xlane v3, v2;
	v4 =	vadd.s32 v1, v4;
	_ =	sdelay $0x1  }
0xc2: {  	v3 =	vadd.s32 v1, v3;
	_ =	sdelay $0x1  }
0xc3: {  	s0 =	simm.s32 $0x7800  }
0xc4: {  	[tilespmem:s0], [sflag:$0x2] =	stream.indirect_vreg.gather [hbm4b:s1+s3], $0x80, v4, vm0, $0xb8;
	[tilespmem:$0x18800] =	vst v63  }
0xc5: {  	_ = 	snop  }
0xc6: {  	[tilespmem:s8], [sflag:$0x2] =	stream.indirect_vreg.gather [hbm4b:s1+s3], $0x80, v3, vm0, $0xb8;
	[tilespmem:$0x18800] =	vst v63  }
0xc7: {  	v3 =	vld [tilespmem:$0x500];
	_ =	sdelay $0x4  }
0xc8: {  	v40 =	vshll.u32 v3, $0x1  }
0xc9: {  	v3 =	vand.u32 $0x7, v3;
	v4 =	vand.u32 $0xFFFFFFF0, v40  }
0xca: {  	v3 =	vor.u32 v3, v4  }
0xcb: {  	v4 =	vperm.xlane v3, v0;
	_ =	sdelay $0x1  }
0xcc: {  	v3 =	vperm.xlane v3, v2;
	v4 =	vadd.s32 v1, v4;
	_ =	sdelay $0x1  }
0xcd: {  	v3 =	vadd.s32 v1, v3;
	_ =	sdelay $0x2  }
0xce: {  	[tilespmem:s9], [sflag:$0x3] =	stream.indirect_vreg.gather [hbm4b:s1+s3], $0x80, v4, vm0, $0xb8;
	[tilespmem:$0x18800] =	vst v63  }
0xcf: {  	s16 =	rddreg [dreg:$0xe]  }
0xd0: {  	[tilespmem:s16], [sflag:$0x3] =	stream.indirect_vreg.gather [hbm4b:s1+s3], $0x80, v3, vm0, $0xb8;
	[tilespmem:$0x18800] =	vst v63  }
0xd1: {  	v3 =	vld [tilespmem:$0x510];
	_ =	sdelay $0x4  }
0xd2: {  	v41 =	vshll.u32 v3, $0x1  }
0xd3: {  	v3 =	vand.u32 $0x7, v3;
	v4 =	vand.u32 $0xFFFFFFF0, v41  }
0xd4: {  	v3 =	vor.u32 v3, v4  }
0xd5: {  	v4 =	vperm.xlane v3, v0;
	_ =	sdelay $0x1  }
0xd6: {  	v3 =	vperm.xlane v3, v2;
	v4 =	vadd.s32 v1, v4;
	_ =	sdelay $0x1  }
0xd7: {  	v3 =	vadd.s32 v1, v3;
	_ =	sdelay $0x1  }
0xd8: {  	s14 =	rddreg [dreg:$0xf]  }
0xd9: {  	[tilespmem:s14], [sflag:$0x3] =	stream.indirect_vreg.gather [hbm4b:s1+s3], $0x80, v4, vm0, $0xb8;
	[tilespmem:$0x18800] =	vst v63  }
0xda: {  	s16 =	rddreg [dreg:$0x10]  }
0xdb: {  	[tilespmem:s16], [sflag:$0x3] =	stream.indirect_vreg.gather [hbm4b:s1+s3], $0x80, v3, vm0, $0xb8;
	[tilespmem:$0x18800] =	vst v63  }
0xdc: {  	v3 =	vld [tilespmem:$0x520];
	_ =	sdelay $0x4  }
0xdd: {  	v42 =	vshll.u32 v3, $0x1  }
0xde: {  	v3 =	vand.u32 $0x7, v3;
	v4 =	vand.u32 $0xFFFFFFF0, v42  }
0xdf: {  	v3 =	vor.u32 v3, v4  }
0xe0: {  	v4 =	vperm.xlane v3, v0;
	_ =	sdelay $0x1  }
0xe1: {  	v3 =	vperm.xlane v3, v2;
	v4 =	vadd.s32 v1, v4;
	_ =	sdelay $0x1  }
0xe2: {  	v3 =	vadd.s32 v1, v3;
	_ =	sdelay $0x1  }
0xe3: {  	s14 =	rddreg [dreg:$0x11]  }
0xe4: {  	[tilespmem:s14], [sflag:$0x3] =	stream.indirect_vreg.gather [hbm4b:s1+s3], $0x80, v4, vm0, $0xb8;
	[tilespmem:$0x18800] =	vst v63  }
0xe5: {  	s16 =	rddreg [dreg:$0x12]  }
0xe6: {  	[tilespmem:s16], [sflag:$0x3] =	stream.indirect_vreg.gather [hbm4b:s1+s3], $0x80, v3, vm0, $0xb8;
	[tilespmem:$0x18800] =	vst v63  }
0xe7: {  	v3 =	vld [tilespmem:$0x530];
	_ =	sdelay $0x4  }
0xe8: {  	v43 =	vshll.u32 v3, $0x1  }
0xe9: {  	v3 =	vand.u32 $0x7, v3;
	v4 =	vand.u32 $0xFFFFFFF0, v43  }
0xea: {  	v3 =	vor.u32 v3, v4  }
0xeb: {  	v4 =	vperm.xlane v3, v0;
	_ =	sdelay $0x1  }
0xec: {  	v3 =	vperm.xlane v3, v2;
	v4 =	vadd.s32 v1, v4;
	_ =	sdelay $0x1  }
0xed: {  	v3 =	vadd.s32 v1, v3;
	_ =	sdelay $0x1  }
0xee: {  	s14 =	rddreg [dreg:$0x13]  }
0xef: {  	[tilespmem:s14], [sflag:$0x3] =	stream.indirect_vreg.gather [hbm4b:s1+s3], $0x80, v4, vm0, $0xb8;
	[tilespmem:$0x18800] =	vst v63  }
0xf0: {  	s16 =	rddreg [dreg:$0x14]  }
0xf1: {  	[tilespmem:s16], [sflag:$0x3] =	stream.indirect_vreg.gather [hbm4b:s1+s3], $0x80, v3, vm0, $0xb8;
	[tilespmem:$0x18800] =	vst v63  }
0xf2: {  	v3 =	vld [tilespmem:$0x580];
	_ =	sdelay $0x4  }
0xf3: {  	v44 =	vshll.u32 v3, $0x1  }
0xf4: {  	v3 =	vand.u32 $0x7, v3;
	v4 =	vand.u32 $0xFFFFFFF0, v44  }
0xf5: {  	v3 =	vor.u32 v3, v4  }
0xf6: {  	v4 =	vperm.xlane v3, v0;
	_ =	sdelay $0x1  }
0xf7: {  	v3 =	vperm.xlane v3, v2;
	v4 =	vadd.s32 v1, v4;
	_ =	sdelay $0x1  }
0xf8: {  	v3 =	vadd.s32 v1, v3;
	_ =	sdelay $0x2  }
0xf9: {  	[tilespmem:s10], [sflag:$0x4] =	stream.indirect_vreg.gather [hbm4b:s1+s3], $0x80, v4, vm0, $0xb8;
	[tilespmem:$0x18800] =	vst v63  }
0xfa: {  	s16 =	rddreg [dreg:$0x15]  }
0xfb: {  	[tilespmem:s16], [sflag:$0x4] =	stream.indirect_vreg.gather [hbm4b:s1+s3], $0x80, v3, vm0, $0xb8;
	[tilespmem:$0x18800] =	vst v63  }
0xfc: {  	v3 =	vld [tilespmem:$0x590];
	_ =	sdelay $0x4  }
0xfd: {  	v45 =	vshll.u32 v3, $0x1  }
0xfe: {  	v3 =	vand.u32 $0x7, v3;
	v4 =	vand.u32 $0xFFFFFFF0, v45  }
0xff: {  	v3 =	vor.u32 v3, v4  }
0x100: {  	v4 =	vperm.xlane v3, v0;
	_ =	sdelay $0x1  }
0x101: {  	v3 =	vperm.xlane v3, v2;
	v4 =	vadd.s32 v1, v4;
	_ =	sdelay $0x1  }
0x102: {  	v3 =	vadd.s32 v1, v3;
	_ =	sdelay $0x1  }
0x103: {  	s14 =	rddreg [dreg:$0x16]  }
0x104: {  	[tilespmem:s14], [sflag:$0x4] =	stream.indirect_vreg.gather [hbm4b:s1+s3], $0x80, v4, vm0, $0xb8;
	[tilespmem:$0x18800] =	vst v63  }
0x105: {  	s16 =	rddreg [dreg:$0x17]  }
0x106: {  	[tilespmem:s16], [sflag:$0x4] =	stream.indirect_vreg.gather [hbm4b:s1+s3], $0x80, v3, vm0, $0xb8;
	[tilespmem:$0x18800] =	vst v63  }
0x107: {  	v3 =	vld [tilespmem:$0x5A0];
	_ =	sdelay $0x4  }
0x108: {  	v46 =	vshll.u32 v3, $0x1  }
0x109: {  	v3 =	vand.u32 $0x7, v3;
	v4 =	vand.u32 $0xFFFFFFF0, v46  }
0x10a: {  	v3 =	vor.u32 v3, v4  }
0x10b: {  	v4 =	vperm.xlane v3, v0;
	_ =	sdelay $0x1  }
0x10c: {  	v3 =	vperm.xlane v3, v2;
	v4 =	vadd.s32 v1, v4;
	_ =	sdelay $0x1  }
0x10d: {  	v3 =	vadd.s32 v1, v3;
	_ =	sdelay $0x1  }
0x10e: {  	s14 =	rddreg [dreg:$0x18]  }
0x10f: {  	[tilespmem:s14], [sflag:$0x4] =	stream.indirect_vreg.gather [hbm4b:s1+s3], $0x80, v4, vm0, $0xb8;
	[tilespmem:$0x18800] =	vst v63  }
0x110: {  	s16 =	rddreg [dreg:$0x19]  }
0x111: {  	[tilespmem:s16], [sflag:$0x4] =	stream.indirect_vreg.gather [hbm4b:s1+s3], $0x80, v3, vm0, $0xb8;
	[tilespmem:$0x18800] =	vst v63  }
0x112: {  	v3 =	vld [tilespmem:$0x5B0];
	_ =	sdelay $0x4  }
0x113: {  	v47 =	vshll.u32 v3, $0x1  }
0x114: {  	v3 =	vand.u32 $0x7, v3;
	v4 =	vand.u32 $0xFFFFFFF0, v47  }
0x115: {  	v3 =	vor.u32 v3, v4  }
0x116: {  	v4 =	vperm.xlane v3, v0;
	_ =	sdelay $0x1  }
0x117: {  	v3 =	vperm.xlane v3, v2;
	v4 =	vadd.s32 v1, v4;
	_ =	sdelay $0x1  }
0x118: {  	v3 =	vadd.s32 v1, v3;
	_ =	sdelay $0x1  }
0x119: {  	s14 =	rddreg [dreg:$0x1a]  }
0x11a: {  	[tilespmem:s14], [sflag:$0x4] =	stream.indirect_vreg.gather [hbm4b:s1+s3], $0x80, v4, vm0, $0xb8;
	[tilespmem:$0x18800] =	vst v63  }
0x11b: {  	s16 =	rddreg [dreg:$0x1b]  }
0x11c: {  	[tilespmem:s16], [sflag:$0x4] =	stream.indirect_vreg.gather [hbm4b:s1+s3], $0x80, v3, vm0, $0xb8;
	[tilespmem:$0x18800] =	vst v63  }
0x11d: {  	v3 =	vld [tilespmem:$0x600];
	_ =	sdelay $0x4  }
0x11e: {  	v48 =	vshll.u32 v3, $0x1  }
0x11f: {  	v3 =	vand.u32 $0x7, v3;
	v4 =	vand.u32 $0xFFFFFFF0, v48  }
0x120: {  	v3 =	vor.u32 v3, v4  }
0x121: {  	v4 =	vperm.xlane v3, v0;
	_ =	sdelay $0x1  }
0x122: {  	v3 =	vperm.xlane v3, v2;
	v4 =	vadd.s32 v1, v4;
	_ =	sdelay $0x1  }
0x123: {  	v3 =	vadd.s32 v1, v3;
	_ =	sdelay $0x2  }
0x124: {  	[tilespmem:s11], [sflag:$0x5] =	stream.indirect_vreg.gather [hbm4b:s1+s3], $0x80, v4, vm0, $0xb8;
	[tilespmem:$0x18800] =	vst v63  }
0x125: {  	s16 =	rddreg [dreg:$0x1c]  }
0x126: {  	[tilespmem:s16], [sflag:$0x5] =	stream.indirect_vreg.gather [hbm4b:s1+s3], $0x80, v3, vm0, $0xb8;
	[tilespmem:$0x18800] =	vst v63  }
0x127: {  	v3 =	vld [tilespmem:$0x610];
	_ =	sdelay $0x4  }
0x128: {  	v49 =	vshll.u32 v3, $0x1  }
0x129: {  	v3 =	vand.u32 $0x7, v3;
	v4 =	vand.u32 $0xFFFFFFF0, v49  }
0x12a: {  	v3 =	vor.u32 v3, v4  }
0x12b: {  	v4 =	vperm.xlane v3, v0;
	_ =	sdelay $0x1  }
0x12c: {  	v3 =	vperm.xlane v3, v2;
	v4 =	vadd.s32 v1, v4;
	_ =	sdelay $0x1  }
0x12d: {  	v3 =	vadd.s32 v1, v3;
	_ =	sdelay $0x1  }
0x12e: {  	s14 =	rddreg [dreg:$0x1d]  }
0x12f: {  	[tilespmem:s14], [sflag:$0x5] =	stream.indirect_vreg.gather [hbm4b:s1+s3], $0x80, v4, vm0, $0xb8;
	[tilespmem:$0x18800] =	vst v63  }
0x130: {  	s16 =	rddreg [dreg:$0x1e]  }
0x131: {  	[tilespmem:s16], [sflag:$0x5] =	stream.indirect_vreg.gather [hbm4b:s1+s3], $0x80, v3, vm0, $0xb8;
	[tilespmem:$0x18800] =	vst v63  }
0x132: {  	v3 =	vld [tilespmem:$0x620];
	_ =	sdelay $0x4  }
0x133: {  	v50 =	vshll.u32 v3, $0x1  }
0x134: {  	v3 =	vand.u32 $0x7, v3;
	v4 =	vand.u32 $0xFFFFFFF0, v50  }
0x135: {  	v3 =	vor.u32 v3, v4  }
0x136: {  	v4 =	vperm.xlane v3, v0;
	_ =	sdelay $0x1  }
0x137: {  	v3 =	vperm.xlane v3, v2;
	v4 =	vadd.s32 v1, v4;
	_ =	sdelay $0x1  }
0x138: {  	v3 =	vadd.s32 v1, v3  }
0x139: {  	s14 =	rddreg [dreg:$0x1f]  }
0x13a: {  	s16 =	sld [smem:$0x7F4]  }
0x13b: {  	[tilespmem:s14], [sflag:$0x5] =	stream.indirect_vreg.gather [hbm4b:s1+s3], $0x80, v4, vm0, $0xb8;
	[tilespmem:$0x18800] =	vst v63  }
0x13c: {  	_ = 	snop  }
0x13d: {  	[tilespmem:s16], [sflag:$0x5] =	stream.indirect_vreg.gather [hbm4b:s1+s3], $0x80, v3, vm0, $0xb8;
	[tilespmem:$0x18800] =	vst v63  }
0x13e: {  	v3 =	vld [tilespmem:$0x630];
	_ =	sdelay $0x4  }
0x13f: {  	v51 =	vshll.u32 v3, $0x1  }
0x140: {  	v3 =	vand.u32 $0x7, v3;
	v4 =	vand.u32 $0xFFFFFFF0, v51  }
0x141: {  	v3 =	vor.u32 v3, v4  }
0x142: {  	v4 =	vperm.xlane v3, v0;
	_ =	sdelay $0x1  }
0x143: {  	v3 =	vperm.xlane v3, v2;
	v4 =	vadd.s32 v1, v4;
	_ =	sdelay $0x1  }
0x144: {  	s14 =	sld [smem:$0x7F5];
	v3 =	vadd.s32 v1, v3;
	_ =	sdelay $0x1  }
0x145: {  	s16 =	sld [smem:$0x7F6]  }
0x146: {  	[tilespmem:s14], [sflag:$0x5] =	stream.indirect_vreg.gather [hbm4b:s1+s3], $0x80, v4, vm0, $0xb8;
	[tilespmem:$0x18800] =	vst v63  }
0x147: {  	_ = 	snop  }
0x148: {  	[tilespmem:s16], [sflag:$0x5] =	stream.indirect_vreg.gather [hbm4b:s1+s3], $0x80, v3, vm0, $0xb8;
	[tilespmem:$0x18800] =	vst v63  }
0x149: {  	v3 =	vld [tilespmem:$0x680];
	_ =	sdelay $0x4  }
0x14a: {  	v52 =	vshll.u32 v3, $0x1  }
0x14b: {  	v3 =	vand.u32 $0x7, v3;
	v4 =	vand.u32 $0xFFFFFFF0, v52  }
0x14c: {  	v3 =	vor.u32 v3, v4  }
0x14d: {  	v4 =	vperm.xlane v3, v0;
	_ =	sdelay $0x1  }
0x14e: {  	v3 =	vperm.xlane v3, v2;
	v4 =	vadd.s32 v1, v4;
	_ =	sdelay $0x1  }
0x14f: {  	v3 =	vadd.s32 v1, v3;
	_ =	sdelay $0x1  }
0x150: {  	s16 =	sld [smem:$0x7F7]  }
0x151: {  	[tilespmem:s12], [sflag:$0x6] =	stream.indirect_vreg.gather [hbm4b:s1+s3], $0x80, v4, vm0, $0xb8;
	[tilespmem:$0x18800] =	vst v63  }
0x152: {  	_ = 	snop  }
0x153: {  	[tilespmem:s16], [sflag:$0x6] =	stream.indirect_vreg.gather [hbm4b:s1+s3], $0x80, v3, vm0, $0xb8;
	[tilespmem:$0x18800] =	vst v63  }
0x154: {  	v3 =	vld [tilespmem:$0x690];
	_ =	sdelay $0x4  }
0x155: {  	v53 =	vshll.u32 v3, $0x1  }
0x156: {  	v3 =	vand.u32 $0x7, v3;
	v4 =	vand.u32 $0xFFFFFFF0, v53  }
0x157: {  	v3 =	vor.u32 v3, v4  }
0x158: {  	v4 =	vperm.xlane v3, v0;
	_ =	sdelay $0x1  }
0x159: {  	v3 =	vperm.xlane v3, v2;
	v4 =	vadd.s32 v1, v4;
	_ =	sdelay $0x1  }
0x15a: {  	s14 =	sld [smem:$0x7F8];
	v3 =	vadd.s32 v1, v3;
	_ =	sdelay $0x1  }
0x15b: {  	s16 =	sld [smem:$0x7F9]  }
0x15c: {  	[tilespmem:s14], [sflag:$0x6] =	stream.indirect_vreg.gather [hbm4b:s1+s3], $0x80, v4, vm0, $0xb8;
	[tilespmem:$0x18800] =	vst v63  }
0x15d: {  	_ = 	snop  }
0x15e: {  	[tilespmem:s16], [sflag:$0x6] =	stream.indirect_vreg.gather [hbm4b:s1+s3], $0x80, v3, vm0, $0xb8;
	[tilespmem:$0x18800] =	vst v63  }
0x15f: {  	v3 =	vld [tilespmem:$0x6A0];
	_ =	sdelay $0x4  }
0x160: {  	v54 =	vshll.u32 v3, $0x1  }
0x161: {  	v3 =	vand.u32 $0x7, v3;
	v4 =	vand.u32 $0xFFFFFFF0, v54  }
0x162: {  	v3 =	vor.u32 v3, v4  }
0x163: {  	v4 =	vperm.xlane v3, v0;
	_ =	sdelay $0x1  }
0x164: {  	v3 =	vperm.xlane v3, v2;
	v4 =	vadd.s32 v1, v4;
	_ =	sdelay $0x1  }
0x165: {  	s14 =	sld [smem:$0x7FA];
	v3 =	vadd.s32 v1, v3;
	_ =	sdelay $0x1  }
0x166: {  	s16 =	sld [smem:$0x7FB]  }
0x167: {  	[tilespmem:s14], [sflag:$0x6] =	stream.indirect_vreg.gather [hbm4b:s1+s3], $0x80, v4, vm0, $0xb8;
	[tilespmem:$0x18800] =	vst v63  }
0x168: {  	_ = 	snop  }
0x169: {  	[tilespmem:s16], [sflag:$0x6] =	stream.indirect_vreg.gather [hbm4b:s1+s3], $0x80, v3, vm0, $0xb8;
	[tilespmem:$0x18800] =	vst v63  }
0x16a: {  	v3 =	vld [tilespmem:$0x6B0];
	_ =	sdelay $0x4  }
0x16b: {  	v55 =	vshll.u32 v3, $0x1  }
0x16c: {  	v3 =	vand.u32 $0x7, v3;
	v4 =	vand.u32 $0xFFFFFFF0, v55  }
0x16d: {  	v3 =	vor.u32 v3, v4  }
0x16e: {  	v4 =	vperm.xlane v3, v0;
	_ =	sdelay $0x1  }
0x16f: {  	v3 =	vperm.xlane v3, v2;
	v4 =	vadd.s32 v1, v4;
	_ =	sdelay $0x1  }
0x170: {  	s14 =	sld [smem:$0x7FC];
	v3 =	vadd.s32 v1, v3;
	_ =	sdelay $0x1  }
0x171: {  	s16 =	sld [smem:$0x7FD]  }
0x172: {  	[tilespmem:s14], [sflag:$0x6] =	stream.indirect_vreg.gather [hbm4b:s1+s3], $0x80, v4, vm0, $0xb8;
	[tilespmem:$0x18800] =	vst v63  }
0x173: {  	_ = 	snop  }
0x174: {  	[tilespmem:s16], [sflag:$0x6] =	stream.indirect_vreg.gather [hbm4b:s1+s3], $0x80, v3, vm0, $0xb8;
	[tilespmem:$0x18800] =	vst v63  }
0x175: {  	_ =	swait.ge [sflag:s28], $0x4000  }
0x176: {  	s16 =	sld [smem:$0x7F3]  }
0x177: {  	[sflag:s28] =	ssyncset.done $0x0  }
0x178: {  	[sflag:s28] =	ssyncadd.s32 $0xFFFFC000  }
0x179: {  	[hbm4b:s16+s3] =	stream.linear.scatter [tilespmem:s7], [sflag:$0x7], $0x4000, $0x38;
	[tilespmem:$0x18800] =	vst v63  }
0x17a: {  	_ =	swait.ge [sflag:s29], $0x4000  }
0x17b: {  	[sflag:s29] =	ssyncset.done $0x0  }
0x17c: {  	[sflag:s29] =	ssyncadd.s32 $0xFFFFC000  }
0x17d: {  	v3 =	vld [tilespmem:$0x700];
	_ =	sdelay $0x4  }
0x17e: {  	v56 =	vshll.u32 v3, $0x1  }
0x17f: {  	v3 =	vand.u32 $0x7, v3;
	v4 =	vand.u32 $0xFFFFFFF0, v56  }
0x180: {  	v3 =	vor.u32 v3, v4  }
0x181: {  	v4 =	vperm.xlane v3, v0;
	_ =	sdelay $0x1  }
0x182: {  	v3 =	vperm.xlane v3, v2;
	v4 =	vadd.s32 v1, v4;
	_ =	sdelay $0x1  }
0x183: {  	v3 =	vadd.s32 v1, v3;
	_ =	sdelay $0x2  }
0x184: {  	[tilespmem:s7], [sflag:$0x1] =	stream.indirect_vreg.gather [hbm4b:s1+s3], $0x80, v4, vm0, $0xb8;
	[tilespmem:$0x18800] =	vst v63  }
0x185: {  	_ = 	snop  }
0x186: {  	[tilespmem:s17], [sflag:$0x1] =	stream.indirect_vreg.gather [hbm4b:s1+s3], $0x80, v3, vm0, $0xb8;
	[tilespmem:$0x18800] =	vst v63  }
0x187: {  	v3 =	vld [tilespmem:$0x710];
	_ =	sdelay $0x4  }
0x188: {  	v57 =	vshll.u32 v3, $0x1  }
0x189: {  	v3 =	vand.u32 $0x7, v3;
	v4 =	vand.u32 $0xFFFFFFF0, v57  }
0x18a: {  	v3 =	vor.u32 v3, v4  }
0x18b: {  	v4 =	vperm.xlane v3, v0;
	_ =	sdelay $0x1  }
0x18c: {  	v3 =	vperm.xlane v3, v2;
	v4 =	vadd.s32 v1, v4;
	_ =	sdelay $0x1  }
0x18d: {  	v3 =	vadd.s32 v1, v3;
	_ =	sdelay $0x2  }
0x18e: {  	[tilespmem:s18], [sflag:$0x1] =	stream.indirect_vreg.gather [hbm4b:s1+s3], $0x80, v4, vm0, $0xb8;
	[tilespmem:$0x18800] =	vst v63  }
0x18f: {  	_ = 	snop  }
0x190: {  	[tilespmem:s19], [sflag:$0x1] =	stream.indirect_vreg.gather [hbm4b:s1+s3], $0x80, v3, vm0, $0xb8;
	[tilespmem:$0x18800] =	vst v63  }
0x191: {  	v3 =	vld [tilespmem:$0x720];
	_ =	sdelay $0x4  }
0x192: {  	v58 =	vshll.u32 v3, $0x1  }
0x193: {  	v3 =	vand.u32 $0x7, v3;
	v4 =	vand.u32 $0xFFFFFFF0, v58  }
0x194: {  	v3 =	vor.u32 v3, v4  }
0x195: {  	v4 =	vperm.xlane v3, v0;
	_ =	sdelay $0x1  }
0x196: {  	v3 =	vperm.xlane v3, v2;
	v4 =	vadd.s32 v1, v4;
	_ =	sdelay $0x1  }
0x197: {  	v3 =	vadd.s32 v1, v3;
	_ =	sdelay $0x2  }
0x198: {  	[tilespmem:s20], [sflag:$0x1] =	stream.indirect_vreg.gather [hbm4b:s1+s3], $0x80, v4, vm0, $0xb8;
	[tilespmem:$0x18800] =	vst v63  }
0x199: {  	_ = 	snop  }
0x19a: {  	[tilespmem:s21], [sflag:$0x1] =	stream.indirect_vreg.gather [hbm4b:s1+s3], $0x80, v3, vm0, $0xb8;
	[tilespmem:$0x18800] =	vst v63  }
0x19b: {  	v3 =	vld [tilespmem:$0x730];
	_ =	sdelay $0x4  }
0x19c: {  	v59 =	vshll.u32 v3, $0x1  }
0x19d: {  	v3 =	vand.u32 $0x7, v3;
	v4 =	vand.u32 $0xFFFFFFF0, v59  }
0x19e: {  	v3 =	vor.u32 v3, v4  }
0x19f: {  	v4 =	vperm.xlane v3, v0;
	_ =	sdelay $0x1  }
0x1a0: {  	v3 =	vperm.xlane v3, v2;
	v4 =	vadd.s32 v1, v4;
	_ =	sdelay $0x1  }
0x1a1: {  	v3 =	vadd.s32 v1, v3;
	_ =	sdelay $0x2  }
0x1a2: {  	[tilespmem:s22], [sflag:$0x1] =	stream.indirect_vreg.gather [hbm4b:s1+s3], $0x80, v4, vm0, $0xb8;
	[tilespmem:$0x18800] =	vst v63  }
0x1a3: {  	_ = 	snop  }
0x1a4: {  	[tilespmem:s23], [sflag:$0x1] =	stream.indirect_vreg.gather [hbm4b:s1+s3], $0x80, v3, vm0, $0xb8;
	[tilespmem:$0x18800] =	vst v63  }
0x1a5: {  	_ =	swait.ge [sflag:s30], $0x4000  }
0x1a6: {  	[sflag:s30] =	ssyncset.done $0x0  }
0x1a7: {  	s16 =	rddreg [dreg:$0x6];
	[sflag:s30] =	ssyncadd.s32 $0xFFFFC000  }
0x1a8: {  	[hbm4b:s16+s3] =	stream.linear.scatter [tilespmem:s15], [sflag:$0x8], $0x4000, $0x38;
	[tilespmem:$0x18800] =	vst v63  }
0x1a9: {  	_ =	swait.ge [sflag:s31], $0x4000  }
0x1aa: {  	[sflag:s31] =	ssyncset.done $0x0  }
0x1ab: {  	[sflag:s31] =	ssyncadd.s32 $0xFFFFC000  }
0x1ac: {  	v3 =	vld [tilespmem:$0x780];
	_ =	sdelay $0x4  }
0x1ad: {  	v60 =	vshll.u32 v3, $0x1  }
0x1ae: {  	v3 =	vand.u32 $0x7, v3;
	v4 =	vand.u32 $0xFFFFFFF0, v60  }
0x1af: {  	v3 =	vor.u32 v3, v4  }
0x1b0: {  	v4 =	vperm.xlane v3, v0;
	_ =	sdelay $0x1  }
0x1b1: {  	v3 =	vperm.xlane v3, v2;
	v4 =	vadd.s32 v1, v4;
	_ =	sdelay $0x1  }
0x1b2: {  	v3 =	vadd.s32 v1, v3;
	_ =	sdelay $0x2  }
0x1b3: {  	[tilespmem:s15], [sflag:$0x2] =	stream.indirect_vreg.gather [hbm4b:s1+s3], $0x80, v4, vm0, $0xb8;
	[tilespmem:$0x18800] =	vst v63  }
0x1b4: {  	_ = 	snop  }
0x1b5: {  	[tilespmem:s24], [sflag:$0x2] =	stream.indirect_vreg.gather [hbm4b:s1+s3], $0x80, v3, vm0, $0xb8;
	[tilespmem:$0x18800] =	vst v63  }
0x1b6: {  	v3 =	vld [tilespmem:$0x790];
	_ =	sdelay $0x4  }
0x1b7: {  	v61 =	vshll.u32 v3, $0x1  }
0x1b8: {  	v3 =	vand.u32 $0x7, v3;
	v4 =	vand.u32 $0xFFFFFFF0, v61  }
0x1b9: {  	v3 =	vor.u32 v3, v4  }
0x1ba: {  	v4 =	vperm.xlane v3, v0;
	_ =	sdelay $0x1  }
0x1bb: {  	v3 =	vperm.xlane v3, v2;
	v4 =	vadd.s32 v1, v4;
	_ =	sdelay $0x1  }
0x1bc: {  	v3 =	vadd.s32 v1, v3;
	_ =	sdelay $0x2  }
0x1bd: {  	[tilespmem:s25], [sflag:$0x2] =	stream.indirect_vreg.gather [hbm4b:s1+s3], $0x80, v4, vm0, $0xb8;
	[tilespmem:$0x18800] =	vst v63  }
0x1be: {  	_ = 	snop  }
0x1bf: {  	[tilespmem:s26], [sflag:$0x2] =	stream.indirect_vreg.gather [hbm4b:s1+s3], $0x80, v3, vm0, $0xb8;
	[tilespmem:$0x18800] =	vst v63  }
0x1c0: {  	v3 =	vld [tilespmem:$0x7A0];
	_ =	sdelay $0x4  }
0x1c1: {  	v62 =	vshll.u32 v3, $0x1  }
0x1c2: {  	v3 =	vand.u32 $0x7, v3;
	v4 =	vand.u32 $0xFFFFFFF0, v62  }
0x1c3: {  	v3 =	vor.u32 v3, v4  }
0x1c4: {  	v4 =	vperm.xlane v3, v0;
	_ =	sdelay $0x1  }
0x1c5: {  	v3 =	vperm.xlane v3, v2;
	v4 =	vadd.s32 v1, v4;
	_ =	sdelay $0x1  }
0x1c6: {  	v3 =	vadd.s32 v1, v3;
	_ =	sdelay $0x2  }
0x1c7: {  	[tilespmem:s4], [sflag:$0x2] =	stream.indirect_vreg.gather [hbm4b:s1+s3], $0x80, v4, vm0, $0xb8;
	[tilespmem:$0x18800] =	vst v63  }
0x1c8: {  	_ = 	snop  }
0x1c9: {  	[tilespmem:s2], [sflag:$0x2] =	stream.indirect_vreg.gather [hbm4b:s1+s3], $0x80, v3, vm0, $0xb8;
	[tilespmem:$0x18800] =	vst v63  }
0x1ca: {  	v3 =	vld [tilespmem:$0x7B0];
	_ =	sdelay $0x4  }
0x1cb: {  	v63 =	vshll.u32 v3, $0x1  }
0x1cc: {  	v3 =	vand.u32 $0x7, v3;
	v4 =	vand.u32 $0xFFFFFFF0, v63  }
0x1cd: {  	v3 =	vor.u32 v3, v4  }
0x1ce: {  	v4 =	vperm.xlane v3, v0;
	_ =	sdelay $0x1  }
0x1cf: {  	v3 =	vperm.xlane v3, v2;
	v4 =	vadd.s32 v1, v4;
	_ =	sdelay $0x1  }
0x1d0: {  	v3 =	vadd.s32 v1, v3;
	_ =	sdelay $0x2  }
0x1d1: {  	[tilespmem:s0], [sflag:$0x2] =	stream.indirect_vreg.gather [hbm4b:s1+s3], $0x80, v4, vm0, $0xb8;
	[tilespmem:$0x18800] =	vst v63  }
0x1d2: {  	s14 =	simm.s32 $0x3  }
0x1d3: {  	[tilespmem:s8], [sflag:$0x2] =	stream.indirect_vreg.gather [hbm4b:s1+s3], $0x80, v3, vm0, $0xb8;
	[tilespmem:$0x18800] =	vst v63  }
0x1d4: {  	_ =	swait.ge [sflag:s14], $0x4000  }
0x1d5: {  	[sflag:s14] =	ssyncset.done $0x0  }
0x1d6: {  	s16 =	rddreg [dreg:$0x7];
	[sflag:s14] =	ssyncadd.s32 $0xFFFFC000;
	s14 =	simm.s32 $0x4  }
0x1d7: {  	[hbm4b:s16+s3] =	stream.linear.scatter [tilespmem:s9], [sflag:$0x9], $0x4000, $0x38;
	[tilespmem:$0x18800] =	vst v63  }
0x1d8: {  	_ =	swait.ge [sflag:s14], $0x4000  }
0x1d9: {  	[sflag:s14] =	ssyncset.done $0x0  }
0x1da: {  	s16 =	rddreg [dreg:$0x8];
	[sflag:s14] =	ssyncadd.s32 $0xFFFFC000;
	s14 =	simm.s32 $0x5  }
0x1db: {  	[hbm4b:s16+s3] =	stream.linear.scatter [tilespmem:s10], [sflag:$0xA], $0x4000, $0x38;
	[tilespmem:$0x18800] =	vst v63  }
0x1dc: {  	_ =	swait.ge [sflag:s14], $0x4000  }
0x1dd: {  	[sflag:s14] =	ssyncset.done $0x0  }
0x1de: {  	s16 =	rddreg [dreg:$0x9];
	[sflag:s14] =	ssyncadd.s32 $0xFFFFC000;
	s14 =	simm.s32 $0x6  }
0x1df: {  	[hbm4b:s16+s3] =	stream.linear.scatter [tilespmem:s11], [sflag:$0xB], $0x4000, $0x38;
	[tilespmem:$0x18800] =	vst v63  }
0x1e0: {  	_ =	swait.ge [sflag:s14], $0x4000  }
0x1e1: {  	[sflag:s14] =	ssyncset.done $0x0  }
0x1e2: {  	s16 =	rddreg [dreg:$0xa];
	[sflag:s14] =	ssyncadd.s32 $0xFFFFC000  }
0x1e3: {  	[hbm4b:s16+s3] =	stream.linear.scatter [tilespmem:s12], [sflag:$0xC], $0x4000, $0x38;
	[tilespmem:$0x18800] =	vst v63  }
0x1e4: {  	_ =	swait.ge [sflag:s28], $0x4000  }
0x1e5: {  	[sflag:s28] =	ssyncset.done $0x0  }
0x1e6: {  	s16 =	rddreg [dreg:$0xb];
	[sflag:s28] =	ssyncadd.s32 $0xFFFFC000  }
0x1e7: {  	[hbm4b:s16+s3] =	stream.linear.scatter [tilespmem:s7], [sflag:$0x7], $0x4000, $0x38;
	[tilespmem:$0x18800] =	vst v63  }
0x1e8: {  	_ =	swait.ge [sflag:s30], $0x4000  }
0x1e9: {  	[sflag:s30] =	ssyncset.done $0x0  }
0x1ea: {  	s16 =	simm.s32 $0x9;
	s0 =	rddreg [dreg:$0xc];
	[sflag:s30] =	ssyncadd.s32 $0xFFFFC000  }
0x1eb: {  	[hbm4b:s0+s3] =	stream.linear.scatter [tilespmem:s15], [sflag:$0x8], $0x4000, $0x38;
	[tilespmem:$0x18800] =	vst v63  }
0x1ec: {  	_ =	swait.ge [sflag:s16], $0x4000  }
0x1ed: {  	[sflag:s16] =	ssyncset.done $0x0  }
0x1ee: {  	s14 =	simm.s32 $0xA;
	[sflag:s16] =	ssyncadd.s32 $0xFFFFC000  }
0x1ef: {  	_ =	swait.ge [sflag:s14], $0x4000  }
0x1f0: {  	[sflag:s14] =	ssyncset.done $0x0  }
0x1f1: {  	s16 =	simm.s32 $0xB;
	[sflag:s14] =	ssyncadd.s32 $0xFFFFC000  }
0x1f2: {  	_ =	swait.ge [sflag:s16], $0x4000  }
0x1f3: {  	[sflag:s16] =	ssyncset.done $0x0  }
0x1f4: {  	[sflag:s16] =	ssyncadd.s32 $0xFFFFC000  }
0x1f5: {  	_ =	swait.ge [sflag:s13], $0x4000  }
0x1f6: {  	[sflag:s13] =	ssyncset.done $0x0  }
0x1f7: {  	[sflag:s13] =	ssyncadd.s32 $0xFFFFC000  }
0x1f8: {  	p0 =	sne.s32 s5, $0x1;
	_ =	swait.ge [sflag:s29], $0x4000  }
.Ltmp0:
0x1f9: {  	[sflag:s29] =	ssyncset.done $0x0;
	(pc) =	sbr.rel @p0 .LBB2_1-.Ltmp0, $4  }
0x1fa: {  	[sflag:s29] =	ssyncadd.s32 $0xFFFFC000  }
0x1fb: {  	_ =	swait.ge [sflag:s31], $0x4000  }
0x1fc: {  	[sflag:s31] =	ssyncset.done $0x0  }
0x1fd: {  	s5 =	sadd.s32 $0xFFFFFFFF, s5;
	[sflag:s31] =	ssyncadd.s32 $0xFFFFC000  }
0x1fe: {  	_ =	sfence.sel $0x180000  }
0x1ff: {  	[bflag:$0x0] =	sbarrier.arrive $0xFFFF  }
0x200: {  	_ =	strace $0x90000047  }
0x201: {  	s0 =	stileid.u32;
	[bflag:$0x2] =	sbarrier.arrive $0xFFFF  }
0x202: {  	p0 =	sne.s32 s0, $0x0;
	s0 =	rddreg [dreg:$0x3]  }
0x203: {  	s0 =	sadd.s32 @!p0 $0x100000, s0  }
0x204: {  	[sflag:s0] =	ssyncadd.tile.s32 @!p0 $0x1;
	_ =	shalt  }
.Lfunc_end2:
_tile_overlayer_lowered:
.L_overlay_start_2:
0x205: {  	(tag) =	ssettag $0x2  }
0x206: {  	s0 =	rddreg [dreg:$0x0];
	s2 =	stileid.u32  }
0x207: {  	s1 =	rddreg [dreg:$0x1];
	p0 =	sne.s32 s2, $0x0  }
0x208: {  	s3 =	rddreg [dreg:$0x2];
	[bflag:$0x3] =	sbarrier.arrive $0xFFFF;
	s2 =	simm.s32 @!p0 $0x1C0D  }
0x209: {  	[timem:s3], [sflag:s2] =	dma.local @!p0 [hbm:s0], s1  }
0x20a: {  	s0 =	simm.s32 @!p0 $0xD  }
0x20b: {  	_ =	swait.ge @!p0 [sflag:s0], s1  }
0x20c: {  	s1 =	ssub.s32 @!p0 $0x0, s1;
	[sflag:s0] =	ssyncset.done @!p0 $0x0  }
0x20d: {  	[sflag:s0] =	ssyncadd.s32 @!p0 s1  }
0x20e: {  	[bflag:$0x3] =	sbarrier.arrive $0xFFFF  }
0x20f: {  	_ =	shalt  }

</sc_bundles>
